<compile_context>
chip_gen: v7x
topology: tpu7x:2x2x1
jax: 0.10.2.dev20260603
libtpu: 0.0.44.dev20260713+nightly
codegen_flags: <defaults>
</compile_context>

<pallas_src>
import functools

import jax
import jax.numpy as jnp
import numpy as np
from jax import lax
from jax.experimental import pallas as pl
from jax.experimental.pallas import tpu as pltpu
from jax.experimental.pallas import tpu_sc as plsc

N_NODES = 10000
N_EDGES = 320000
H = 128
NI = 16

NC = 2
NS = 16
NW = NC * NS
E_PER_TILE = N_EDGES // NW
E_BLK = 40
N_BLKS = E_PER_TILE // E_BLK
ROWS_PER_TILE = 624
TAIL_R0 = NS * ROWS_PER_TILE
TAIL_ROWS = N_NODES - TAIL_R0



def _mm2_body(xs_ref, xr_ref, wa_ref, wb_ref, oa_ref, ob_ref):
    oa_ref[...] = lax.dot_general(
        xs_ref[...], wa_ref[...], (((1,), (0,)), ((), ())),
        preferred_element_type=jnp.float32,
        precision=lax.Precision.HIGHEST)
    ob_ref[...] = lax.dot_general(
        xr_ref[...], wb_ref[...], (((1,), (0,)), ((), ())),
        preferred_element_type=jnp.float32,
        precision=lax.Precision.HIGHEST)


def _node_mm2(xs, xr, wa, wb):
    blk = N_NODES // 10
    out = jax.ShapeDtypeStruct((N_NODES, H), jnp.float32)
    return pl.pallas_call(
        _mm2_body,
        grid=(10,),
        in_specs=[
            pl.BlockSpec((blk, H), lambda i: (i, 0)),
            pl.BlockSpec((blk, H), lambda i: (i, 0)),
            pl.BlockSpec((H, H), lambda i: (0, 0)),
            pl.BlockSpec((H, H), lambda i: (0, 0)),
        ],
        out_specs=[pl.BlockSpec((blk, H), lambda i: (i, 0)),
                   pl.BlockSpec((blk, H), lambda i: (i, 0))],
        out_shape=[out, out],
    )(xs, xr, wa, wb)


def _edge_mm_body(ea_ref, w_ref, b_ref, o_ref):
    o_ref[...] = lax.dot_general(
        ea_ref[...], w_ref[...], (((1,), (0,)), ((), ())),
        preferred_element_type=jnp.float32,
        precision=lax.Precision.HIGHEST) + b_ref[...]


def _edge_mm(ea, w, b):
    blk = 4000
    return pl.pallas_call(
        _edge_mm_body,
        grid=(N_EDGES // blk,),
        in_specs=[
            pl.BlockSpec((blk, NI), lambda i: (i, 0)),
            pl.BlockSpec((NI, H), lambda i: (0, 0)),
            pl.BlockSpec((1, H), lambda i: (0, 0)),
        ],
        out_specs=pl.BlockSpec((blk, H), lambda i: (i, 0)),
        out_shape=jax.ShapeDtypeStruct((N_EDGES, H), jnp.float32),
    )(ea, w, b)


def _sum2_body(p_ref, o_ref):
    o_ref[...] = p_ref[0] + p_ref[1]


def _sum_partials(p):
    blk = 2000
    return pl.pallas_call(
        _sum2_body,
        grid=(N_NODES // blk,),
        in_specs=[pl.BlockSpec((2, blk, H), lambda i: (0, i, 0))],
        out_specs=pl.BlockSpec((blk, H), lambda i: (i, 0)),
        out_shape=jax.ShapeDtypeStruct((N_NODES, H), jnp.float32),
    )(p)



def _lane_allsum(x):
    lanes = lax.iota(jnp.int32, 16)
    dnums = lax.GatherDimensionNumbers(
        offset_dims=(), collapsed_slice_dims=(0,), start_index_map=(0,))
    for k in (8, 4, 2, 1):
        x = x + lax.gather(
            x, (lanes ^ k)[:, None], dnums, (1,),
            mode=lax.GatherScatterMode.PROMISE_IN_BOUNDS)
    return x

def _sc_body(xa_hbm, xb_hbm, ecb_hbm, is_hbm, ir_hbm, w2_hbm, zeros_hbm,
             out_hbm,
             idx_s, idx_r, ga, gb, gc, mout, w2v, acc_sh,
             isem_s, isem_r, gsem_a, gsem_b, gsem_c):
    c = lax.axis_index("c")
    s = lax.axis_index("s")
    wid = c * NS + s

    r0 = pl.multiple_of(s * ROWS_PER_TILE, 8)
    pltpu.sync_copy(zeros_hbm, acc_sh.at[pl.ds(r0, ROWS_PER_TILE)])
    @pl.when(s == NS - 1)
    def _zero_tail():
        pltpu.sync_copy(zeros_hbm.at[pl.ds(0, TAIL_ROWS)],
                        acc_sh.at[pl.ds(TAIL_R0, TAIL_ROWS)])
    pltpu.sync_copy(w2_hbm, w2v)
    plsc.subcore_barrier()

    ebase = wid * E_PER_TILE

    def fetch_idx(b, q):
        off = ebase + b * E_BLK
        ca = pltpu.async_copy(is_hbm.at[pl.ds(off, E_BLK)], idx_s.at[q],
                              isem_s.at[q])
        cb = pltpu.async_copy(ir_hbm.at[pl.ds(off, E_BLK)], idx_r.at[q],
                              isem_r.at[q])
        return ca, cb

    def issue_gathers(b, q):
        off = ebase + b * E_BLK
        da = pltpu.async_copy(xa_hbm.at[idx_s.at[q]], ga.at[q], gsem_a.at[q])
        db = pltpu.async_copy(xb_hbm.at[idx_r.at[q]], gb.at[q], gsem_b.at[q])
        dc = pltpu.async_copy(ecb_hbm.at[pl.ds(off, E_BLK)], gc.at[q],
                              gsem_c.at[q])
        return da, db, dc

    ca, cb = fetch_idx(0, 0)
    ca.wait()
    cb.wait()
    issue_gathers(0, 0)
    fetch_idx(1, 1)

    w2cs = [w2v[pl.ds(k * 16, 16)] for k in range(H // 16)]
    b2v = w2v[pl.ds(H, 16)]

    def block(b, carry):
        p = lax.rem(b, 2)
        q = 1 - p
        pltpu.make_async_copy(is_hbm.at[pl.ds(0, E_BLK)], idx_s.at[q],
                              isem_s.at[q]).wait()
        pltpu.make_async_copy(ir_hbm.at[pl.ds(0, E_BLK)], idx_r.at[q],
                              isem_r.at[q]).wait()
        issue_gathers(jnp.minimum(b + 1, N_BLKS - 1), q)
        pltpu.make_async_copy(xa_hbm.at[idx_s.at[p]], ga.at[p],
                              gsem_a.at[p]).wait()
        pltpu.make_async_copy(xb_hbm.at[idx_r.at[p]], gb.at[p],
                              gsem_b.at[p]).wait()
        pltpu.make_async_copy(ecb_hbm.at[pl.ds(0, E_BLK)], gc.at[p],
                              gsem_c.at[p]).wait()

        def edge_head(j):
            ms = []
            ts = []
            for k in range(H // 16):
                sl = pl.ds(k * 16, 16)
                h = ga[p, j, sl] + gb[p, j, sl] + gc[p, j, sl]
                m = h / (1.0 + jnp.exp(-h))
                ms.append(m)
                ts.append(m * w2cs[k])
            while len(ts) > 1:
                ts = [ts[i] + ts[i + 1] for i in range(0, len(ts), 2)]
            return tuple(ms) + (ts[0],)

        def edge_tail(j, carry2):
            ms, acc = carry2[:-1], carry2[-1]
            dot = _lane_allsum(acc)
            w = 1.0 / (1.0 + jnp.exp(-(dot + b2v)))
            for k in range(H // 16):
                mout[j, pl.ds(k * 16, 16)] = ms[k] * w

        def edge(j, carry2):
            nxt = edge_head(j)
            edge_tail(j - 1, carry2)
            return nxt

        last = lax.fori_loop(1, E_BLK, edge, edge_head(0))
        edge_tail(E_BLK - 1, last)
        pltpu.sync_copy(mout, acc_sh.at[idx_r.at[p]], add=True)
        fetch_idx(jnp.minimum(b + 2, N_BLKS - 1), p)
        return carry

    lax.fori_loop(0, N_BLKS, block, 0)

    lastq = (N_BLKS - 1 + 1) % 2
    lastp = (N_BLKS - 1) % 2
    pltpu.make_async_copy(xa_hbm.at[idx_s.at[lastq]], ga.at[lastq],
                          gsem_a.at[lastq]).wait()
    pltpu.make_async_copy(xb_hbm.at[idx_r.at[lastq]], gb.at[lastq],
                          gsem_b.at[lastq]).wait()
    pltpu.make_async_copy(ecb_hbm.at[pl.ds(0, E_BLK)], gc.at[lastq],
                          gsem_c.at[lastq]).wait()
    pltpu.make_async_copy(is_hbm.at[pl.ds(0, E_BLK)], idx_s.at[lastp],
                          isem_s.at[lastp]).wait()
    pltpu.make_async_copy(ir_hbm.at[pl.ds(0, E_BLK)], idx_r.at[lastp],
                          isem_r.at[lastp]).wait()

    plsc.subcore_barrier()
    pltpu.sync_copy(acc_sh.at[pl.ds(r0, ROWS_PER_TILE)],
                    out_hbm.at[c, pl.ds(r0, ROWS_PER_TILE)])
    @pl.when(s == NS - 1)
    def _drain_tail():
        pltpu.sync_copy(acc_sh.at[pl.ds(TAIL_R0, TAIL_ROWS)],
                        out_hbm.at[c, pl.ds(TAIL_R0, TAIL_ROWS)])


@functools.partial(
    pl.kernel,
    out_type=jax.ShapeDtypeStruct((NC, N_NODES, H), jnp.float32),
    mesh=plsc.VectorSubcoreMesh(core_axis_name="c", subcore_axis_name="s"),
    scratch_types=[
        pltpu.VMEM((2, E_BLK), jnp.int32),
        pltpu.VMEM((2, E_BLK), jnp.int32),
        pltpu.VMEM((2, E_BLK, H), jnp.float32),
        pltpu.VMEM((2, E_BLK, H), jnp.float32),
        pltpu.VMEM((2, E_BLK, H), jnp.float32),
        pltpu.VMEM((E_BLK, H), jnp.float32),
        pltpu.VMEM((H + 16,), jnp.float32),
        pltpu.VMEM_SHARED((N_NODES, H), jnp.float32),
        pltpu.SemaphoreType.DMA((2,)),
        pltpu.SemaphoreType.DMA((2,)),
        pltpu.SemaphoreType.DMA((2,)),
        pltpu.SemaphoreType.DMA((2,)),
        pltpu.SemaphoreType.DMA((2,)),
    ],
)
def _sc_edges(*refs):
    _sc_body(*refs)


def kernel(x_send, x_rec, index_send, index_rec, edge_attr, W1, b1, W2, b2):
    xa, xb = _node_mm2(x_send, x_rec, W1[:H], W1[H:2 * H])
    ecb = _edge_mm(edge_attr, W1[2 * H:], b1.reshape(1, H))
    w2pad = jnp.concatenate(
        [W2[:, 0], jnp.full((16,), b2[0], dtype=jnp.float32)])
    zeros = jnp.zeros((ROWS_PER_TILE, H), dtype=jnp.float32)
    partials = _sc_edges(xa, xb, ecb,
                         index_send.astype(jnp.int32),
                         index_rec.astype(jnp.int32),
                         w2pad, zeros)
    return _sum_partials(partials)

# --- scband reference (transcript-rebuilt; emitter-appended) ---
"""Pipeline reference for scband-simplicial-egnnlayer-14886356648021 (READ-ONLY COPY).

The authoritative reference and input builder live on the scoring server;
editing this copy changes nothing except your own understanding.
"""

import jax, jax.numpy as jnp
import numpy as np

NUM_HIDDEN = 128
NUM_INV = 16
N_NODES = 10000
N_EDGES = 320000


def setup_inputs(seed: int = 0) -> dict:
    key = jax.random.key(seed)
    ks = jax.random.split(key, 10)
    x_send = jax.random.normal(ks[0], (N_NODES, NUM_HIDDEN), dtype=jnp.float32)
    x_rec = jax.random.normal(ks[1], (N_NODES, NUM_HIDDEN), dtype=jnp.float32)
    index_send = jax.random.randint(ks[2], (N_EDGES,), 0, N_NODES, dtype=jnp.int64 if jax.config.jax_enable_x64 else jnp.int32)
    index_rec = jax.random.randint(ks[3], (N_EDGES,), 0, N_NODES, dtype=jnp.int64 if jax.config.jax_enable_x64 else jnp.int32)
    edge_attr = jax.random.normal(ks[4], (N_EDGES, NUM_INV), dtype=jnp.float32)
    d_in = 2 * NUM_HIDDEN + NUM_INV
    W1 = jax.random.normal(ks[5], (d_in, NUM_HIDDEN), dtype=jnp.float32) * (1.0 / np.sqrt(d_in))
    b1 = jnp.zeros((NUM_HIDDEN,), dtype=jnp.float32)
    W2 = jax.random.normal(ks[6], (NUM_HIDDEN, 1), dtype=jnp.float32) * (1.0 / np.sqrt(NUM_HIDDEN))
    b2 = jnp.zeros((1,), dtype=jnp.float32)
    return {"x_send": x_send, "x_rec": x_rec, "index_send": index_send, "index_rec": index_rec, "edge_attr": edge_attr, "W1": W1, "b1": b1, "W2": W2, "b2": b2}


def reference(x_send, x_rec, index_send, index_rec, edge_attr, W1, b1, W2, b2):
    # gather endpoint features per edge
    sim_send = jnp.take(x_send, index_send, axis=0)
    sim_rec = jnp.take(x_rec, index_rec, axis=0)
    state = jnp.concatenate((sim_send, sim_rec, edge_attr), axis=1)
    # message MLP: Linear -> SiLU (lean=True, batch_norm=False)
    h = state @ W1 + b1
    messages = h * jax.nn.sigmoid(h)
    # edge inference MLP: Linear -> Sigmoid
    edge_weights = jax.nn.sigmoid(messages @ W2 + b2)
    # scatter-add aggregation into receiving simplices
    weighted = messages * edge_weights
    messages_aggr = jnp.zeros((x_rec.shape[0], weighted.shape[1]), dtype=weighted.dtype).at[index_rec].add(weighted)
    return messages_aggr

if __name__ == "__main__":
    import jax
    _d = setup_inputs()
    print(jax.jit(kernel)(*tuple(_d.values())))

</pallas_src>

<mosaic_0001>
#map = affine_map<(d0, d1) -> (0, 0)>
#map1 = affine_map<(d0, d1) -> (0)>
#map2 = affine_map<(d0, d1) -> (0, 0, 0)>
module attributes {stable_mosaic.version = 14 : i64} {
  func.func @_sc_edges(%arg0: i32, %arg1: i32, %arg2: memref<10000x128xf32, #tpu.memory_space<hbm>>, %arg3: memref<10000x128xf32, #tpu.memory_space<hbm>>, %arg4: memref<320000x128xf32, #tpu.memory_space<hbm>>, %arg5: memref<320000xi32, #tpu.memory_space<hbm>>, %arg6: memref<320000xi32, #tpu.memory_space<hbm>>, %arg7: memref<144xf32, #tpu.memory_space<hbm>>, %arg8: memref<624x128xf32, #tpu.memory_space<hbm>>, %arg9: memref<2x10000x128xf32, #tpu.memory_space<hbm>>, %arg10: memref<2x40xi32, #tpu.memory_space<vmem>>, %arg11: memref<2x40xi32, #tpu.memory_space<vmem>>, %arg12: memref<2x40x128xf32, #tpu.memory_space<vmem>>, %arg13: memref<2x40x128xf32, #tpu.memory_space<vmem>>, %arg14: memref<2x40x128xf32, #tpu.memory_space<vmem>>, %arg15: memref<40x128xf32, #tpu.memory_space<vmem>>, %arg16: memref<144xf32, #tpu.memory_space<vmem>>, %arg17: memref<10000x128xf32, #tpu.memory_space<vmem_shared>>, %arg18: memref<2x!tpu.dma_semaphore, #tpu.memory_space<semaphore_mem>>, %arg19: memref<2x!tpu.dma_semaphore, #tpu.memory_space<semaphore_mem>>, %arg20: memref<2x!tpu.dma_semaphore, #tpu.memory_space<semaphore_mem>>, %arg21: memref<2x!tpu.dma_semaphore, #tpu.memory_space<semaphore_mem>>, %arg22: memref<2x!tpu.dma_semaphore, #tpu.memory_space<semaphore_mem>>) attributes {dimension_semantics = [#tpu.dimension_semantics<core_parallel>, #tpu.dimension_semantics<subcore_parallel>], iteration_bounds = array<i64: 2, 16>, scalar_prefetch = 0 : i64, scratch_operands = 13 : i64, tpu.core_type = #tpu.core_type<sc_vector_subcore>, window_params = [{transform_indices = #map}, {transform_indices = #map}, {transform_indices = #map}, {transform_indices = #map1}, {transform_indices = #map1}, {transform_indices = #map1}, {transform_indices = #map}, {transform_indices = #map2}]} {
    %mul3A = arith.constant 16 : i32
    %mul3A_0 = arith.muli %arg0, %mul3A : i32
    %add3A = arith.addi %mul3A_0, %arg1 : i32
    %mul3A_1 = arith.constant 624 : i32
    %mul3A_2 = arith.muli %arg1, %mul3A_1 : i32
    %multiple_of3A = tpu.assume_multiple %mul3A_2, 8 : i32
    "tpu.region"() ({
      %run_scoped3A = tpu.sem_alloc : memref<!tpu.dma_semaphore, #tpu.memory_space<semaphore_mem>>
      %dma_start3A_242 = arith.constant 0 : i32
      %dma_start3A_243 = tpu.memref_slice %arg17[%multiple_of3A, %dma_start3A_242] : memref<10000x128xf32, #tpu.memory_space<vmem_shared>> -> memref<624x128xf32, #tpu.memory_space<vmem_shared>>
      tpu.enqueue_dma source(%arg8 : memref<624x128xf32, #tpu.memory_space<hbm>>) target(%dma_start3A_243 : memref<624x128xf32, #tpu.memory_space<vmem_shared>>) target_semaphore(%run_scoped3A : memref<!tpu.dma_semaphore, #tpu.memory_space<semaphore_mem>>)
      %dma_wait3A_244 = arith.constant 0 : i32
      %dma_wait3A_245 = tpu.memref_slice %arg17[%multiple_of3A, %dma_wait3A_244] : memref<10000x128xf32, #tpu.memory_space<vmem_shared>> -> memref<624x128xf32, #tpu.memory_space<vmem_shared>>
      tpu.wait_dma2 semaphore(%run_scoped3A : memref<!tpu.dma_semaphore, #tpu.memory_space<semaphore_mem>>) src(%arg8 : memref<624x128xf32, #tpu.memory_space<hbm>>) dst(%dma_wait3A_245 : memref<624x128xf32, #tpu.memory_space<vmem_shared>>)
      tpu.yield
    }) : () -> ()
    %eq3A = arith.constant 15 : i32
    %eq3A_3 = arith.cmpi eq, %arg1, %eq3A : i32
    %convert_element_type3A = arith.extui %eq3A_3 : i1 to i32
    %cond3A = arith.constant 0 : i32
    %cond3A_4 = arith.cmpi ne, %convert_element_type3A, %cond3A : i32
    scf.if %cond3A_4 {
      "tpu.region"() ({
        %run_scoped3A = tpu.sem_alloc : memref<!tpu.dma_semaphore, #tpu.memory_space<semaphore_mem>>
        %dma_start3A_242 = arith.constant 9984 : i32
        %dma_start3A_243 = arith.constant 0 : i32
        %dma_start3A_244 = tpu.memref_slice %arg17[%dma_start3A_242, %dma_start3A_243] : memref<10000x128xf32, #tpu.memory_space<vmem_shared>> -> memref<16x128xf32, #tpu.memory_space<vmem_shared>>
        %dma_start3A_245 = arith.constant 0 : i32
        %dma_start3A_246 = arith.constant 0 : i32
        %dma_start3A_247 = tpu.memref_slice %arg8[%dma_start3A_245, %dma_start3A_246] : memref<624x128xf32, #tpu.memory_space<hbm>> -> memref<16x128xf32, #tpu.memory_space<hbm>>
        tpu.enqueue_dma source(%dma_start3A_247 : memref<16x128xf32, #tpu.memory_space<hbm>>) target(%dma_start3A_244 : memref<16x128xf32, #tpu.memory_space<vmem_shared>>) target_semaphore(%run_scoped3A : memref<!tpu.dma_semaphore, #tpu.memory_space<semaphore_mem>>)
        %dma_wait3A_248 = arith.constant 9984 : i32
        %dma_wait3A_249 = arith.constant 0 : i32
        %dma_wait3A_250 = tpu.memref_slice %arg17[%dma_wait3A_248, %dma_wait3A_249] : memref<10000x128xf32, #tpu.memory_space<vmem_shared>> -> memref<16x128xf32, #tpu.memory_space<vmem_shared>>
        %dma_wait3A_251 = arith.constant 0 : i32
        %dma_wait3A_252 = arith.constant 0 : i32
        %dma_wait3A_253 = tpu.memref_slice %arg8[%dma_wait3A_251, %dma_wait3A_252] : memref<624x128xf32, #tpu.memory_space<hbm>> -> memref<16x128xf32, #tpu.memory_space<hbm>>
        tpu.wait_dma2 semaphore(%run_scoped3A : memref<!tpu.dma_semaphore, #tpu.memory_space<semaphore_mem>>) src(%dma_wait3A_253 : memref<16x128xf32, #tpu.memory_space<hbm>>) dst(%dma_wait3A_250 : memref<16x128xf32, #tpu.memory_space<vmem_shared>>)
        tpu.yield
      }) : () -> ()
    } else {
    }
    "tpu.region"() ({
      %run_scoped3A = tpu.sem_alloc : memref<!tpu.dma_semaphore, #tpu.memory_space<semaphore_mem>>
      tpu.enqueue_dma source(%arg7 : memref<144xf32, #tpu.memory_space<hbm>>) target(%arg16 : memref<144xf32, #tpu.memory_space<vmem>>) target_semaphore(%run_scoped3A : memref<!tpu.dma_semaphore, #tpu.memory_space<semaphore_mem>>)
      tpu.wait_dma2 semaphore(%run_scoped3A : memref<!tpu.dma_semaphore, #tpu.memory_space<semaphore_mem>>) src(%arg7 : memref<144xf32, #tpu.memory_space<hbm>>) dst(%arg16 : memref<144xf32, #tpu.memory_space<vmem>>)
      tpu.yield
    }) : () -> ()
    %barrier3A = arith.constant 0 : index
    tpu.barrier barrier_id(%barrier3A)
    %mul3A_5 = arith.constant 10000 : i32
    %mul3A_6 = arith.muli %add3A, %mul3A_5 : i32
    %add3A_7 = arith.constant 0 : i32
    %add3A_8 = arith.addi %mul3A_6, %add3A_7 : i32
    %dma_start3A = arith.constant 0 : i32
    %dma_start3A_9 = arith.constant 0 : i32
    %dma_start3A_10 = arith.constant 0 : i32
    %dma_start3A_11 = tpu.memref_slice %arg10[%dma_start3A, %dma_start3A_10] : memref<2x40xi32, #tpu.memory_space<vmem>> -> memref<1x40xi32, #tpu.memory_space<vmem>>
    %dma_start3A_12 = tpu.memref_squeeze %dma_start3A_11 : memref<1x40xi32, #tpu.memory_space<vmem>> -> memref<40xi32, #tpu.memory_space<vmem>>
    %dma_start3A_13 = tpu.memref_slice %arg5[%add3A_8] : memref<320000xi32, #tpu.memory_space<hbm>> -> memref<40xi32, #tpu.memory_space<hbm>>
    %dma_start3A_14 = tpu.memref_slice %arg18[%dma_start3A_9] : memref<2x!tpu.dma_semaphore, #tpu.memory_space<semaphore_mem>> -> memref<1x!tpu.dma_semaphore, #tpu.memory_space<semaphore_mem>>
    %dma_start3A_15 = tpu.memref_squeeze %dma_start3A_14 : memref<1x!tpu.dma_semaphore, #tpu.memory_space<semaphore_mem>> -> memref<!tpu.dma_semaphore, #tpu.memory_space<semaphore_mem>>
    %dma_start3A_16 = arith.constant 0 : i32
    %dma_start3A_17 = tpu.memref_slice %arg10[%dma_start3A, %dma_start3A_16] : memref<2x40xi32, #tpu.memory_space<vmem>> -> memref<1x40xi32, #tpu.memory_space<vmem>>
    %dma_start3A_18 = tpu.memref_squeeze %dma_start3A_17 : memref<1x40xi32, #tpu.memory_space<vmem>> -> memref<40xi32, #tpu.memory_space<vmem>>
    %dma_start3A_19 = tpu.memref_slice %arg5[%add3A_8] : memref<320000xi32, #tpu.memory_space<hbm>> -> memref<40xi32, #tpu.memory_space<hbm>>
    tpu.enqueue_dma source(%dma_start3A_19 : memref<40xi32, #tpu.memory_space<hbm>>) target(%dma_start3A_18 : memref<40xi32, #tpu.memory_space<vmem>>) target_semaphore(%dma_start3A_15 : memref<!tpu.dma_semaphore, #tpu.memory_space<semaphore_mem>>)
    %dma_start3A_20 = arith.constant 0 : i32
    %dma_start3A_21 = arith.constant 0 : i32
    %dma_start3A_22 = arith.constant 0 : i32
    %dma_start3A_23 = tpu.memref_slice %arg11[%dma_start3A_20, %dma_start3A_22] : memref<2x40xi32, #tpu.memory_space<vmem>> -> memref<1x40xi32, #tpu.memory_space<vmem>>
    %dma_start3A_24 = tpu.memref_squeeze %dma_start3A_23 : memref<1x40xi32, #tpu.memory_space<vmem>> -> memref<40xi32, #tpu.memory_space<vmem>>
    %dma_start3A_25 = tpu.memref_slice %arg6[%add3A_8] : memref<320000xi32, #tpu.memory_space<hbm>> -> memref<40xi32, #tpu.memory_space<hbm>>
    %dma_start3A_26 = tpu.memref_slice %arg19[%dma_start3A_21] : memref<2x!tpu.dma_semaphore, #tpu.memory_space<semaphore_mem>> -> memref<1x!tpu.dma_semaphore, #tpu.memory_space<semaphore_mem>>
    %dma_start3A_27 = tpu.memref_squeeze %dma_start3A_26 : memref<1x!tpu.dma_semaphore, #tpu.memory_space<semaphore_mem>> -> memref<!tpu.dma_semaphore, #tpu.memory_space<semaphore_mem>>
    %dma_start3A_28 = arith.constant 0 : i32
    %dma_start3A_29 = tpu.memref_slice %arg11[%dma_start3A_20, %dma_start3A_28] : memref<2x40xi32, #tpu.memory_space<vmem>> -> memref<1x40xi32, #tpu.memory_space<vmem>>
    %dma_start3A_30 = tpu.memref_squeeze %dma_start3A_29 : memref<1x40xi32, #tpu.memory_space<vmem>> -> memref<40xi32, #tpu.memory_space<vmem>>
    %dma_start3A_31 = tpu.memref_slice %arg6[%add3A_8] : memref<320000xi32, #tpu.memory_space<hbm>> -> memref<40xi32, #tpu.memory_space<hbm>>
    tpu.enqueue_dma source(%dma_start3A_31 : memref<40xi32, #tpu.memory_space<hbm>>) target(%dma_start3A_30 : memref<40xi32, #tpu.memory_space<vmem>>) target_semaphore(%dma_start3A_27 : memref<!tpu.dma_semaphore, #tpu.memory_space<semaphore_mem>>)
    %dma_wait3A = arith.constant 0 : i32
    %dma_wait3A_32 = arith.constant 0 : i32
    %dma_wait3A_33 = arith.constant 0 : i32
    %dma_wait3A_34 = tpu.memref_slice %arg10[%dma_wait3A, %dma_wait3A_33] : memref<2x40xi32, #tpu.memory_space<vmem>> -> memref<1x40xi32, #tpu.memory_space<vmem>>
    %dma_wait3A_35 = tpu.memref_squeeze %dma_wait3A_34 : memref<1x40xi32, #tpu.memory_space<vmem>> -> memref<40xi32, #tpu.memory_space<vmem>>
    %dma_wait3A_36 = tpu.memref_slice %arg5[%add3A_8] : memref<320000xi32, #tpu.memory_space<hbm>> -> memref<40xi32, #tpu.memory_space<hbm>>
    %dma_wait3A_37 = tpu.memref_slice %arg18[%dma_wait3A_32] : memref<2x!tpu.dma_semaphore, #tpu.memory_space<semaphore_mem>> -> memref<1x!tpu.dma_semaphore, #tpu.memory_space<semaphore_mem>>
    %dma_wait3A_38 = tpu.memref_squeeze %dma_wait3A_37 : memref<1x!tpu.dma_semaphore, #tpu.memory_space<semaphore_mem>> -> memref<!tpu.dma_semaphore, #tpu.memory_space<semaphore_mem>>
    %dma_wait3A_39 = arith.constant 0 : i32
    %dma_wait3A_40 = tpu.memref_slice %arg10[%dma_wait3A, %dma_wait3A_39] : memref<2x40xi32, #tpu.memory_space<vmem>> -> memref<1x40xi32, #tpu.memory_space<vmem>>
    %dma_wait3A_41 = tpu.memref_squeeze %dma_wait3A_40 : memref<1x40xi32, #tpu.memory_space<vmem>> -> memref<40xi32, #tpu.memory_space<vmem>>
    %dma_wait3A_42 = tpu.memref_slice %arg5[%add3A_8] : memref<320000xi32, #tpu.memory_space<hbm>> -> memref<40xi32, #tpu.memory_space<hbm>>
    tpu.wait_dma2 semaphore(%dma_wait3A_38 : memref<!tpu.dma_semaphore, #tpu.memory_space<semaphore_mem>>) src(%dma_wait3A_42 : memref<40xi32, #tpu.memory_space<hbm>>) dst(%dma_wait3A_41 : memref<40xi32, #tpu.memory_space<vmem>>)
    %dma_wait3A_43 = arith.constant 0 : i32
    %dma_wait3A_44 = arith.constant 0 : i32
    %dma_wait3A_45 = arith.constant 0 : i32
    %dma_wait3A_46 = tpu.memref_slice %arg11[%dma_wait3A_43, %dma_wait3A_45] : memref<2x40xi32, #tpu.memory_space<vmem>> -> memref<1x40xi32, #tpu.memory_space<vmem>>
    %dma_wait3A_47 = tpu.memref_squeeze %dma_wait3A_46 : memref<1x40xi32, #tpu.memory_space<vmem>> -> memref<40xi32, #tpu.memory_space<vmem>>
    %dma_wait3A_48 = tpu.memref_slice %arg6[%add3A_8] : memref<320000xi32, #tpu.memory_space<hbm>> -> memref<40xi32, #tpu.memory_space<hbm>>
    %dma_wait3A_49 = tpu.memref_slice %arg19[%dma_wait3A_44] : memref<2x!tpu.dma_semaphore, #tpu.memory_space<semaphore_mem>> -> memref<1x!tpu.dma_semaphore, #tpu.memory_space<semaphore_mem>>
    %dma_wait3A_50 = tpu.memref_squeeze %dma_wait3A_49 : memref<1x!tpu.dma_semaphore, #tpu.memory_space<semaphore_mem>> -> memref<!tpu.dma_semaphore, #tpu.memory_space<semaphore_mem>>
    %dma_wait3A_51 = arith.constant 0 : i32
    %dma_wait3A_52 = tpu.memref_slice %arg11[%dma_wait3A_43, %dma_wait3A_51] : memref<2x40xi32, #tpu.memory_space<vmem>> -> memref<1x40xi32, #tpu.memory_space<vmem>>
    %dma_wait3A_53 = tpu.memref_squeeze %dma_wait3A_52 : memref<1x40xi32, #tpu.memory_space<vmem>> -> memref<40xi32, #tpu.memory_space<vmem>>
    %dma_wait3A_54 = tpu.memref_slice %arg6[%add3A_8] : memref<320000xi32, #tpu.memory_space<hbm>> -> memref<40xi32, #tpu.memory_space<hbm>>
    tpu.wait_dma2 semaphore(%dma_wait3A_50 : memref<!tpu.dma_semaphore, #tpu.memory_space<semaphore_mem>>) src(%dma_wait3A_54 : memref<40xi32, #tpu.memory_space<hbm>>) dst(%dma_wait3A_53 : memref<40xi32, #tpu.memory_space<vmem>>)
    %add3A_55 = arith.constant 0 : i32
    %add3A_56 = arith.addi %mul3A_6, %add3A_55 : i32
    %dma_start3A_57 = arith.constant 0 : i32
    %dma_start3A_58 = arith.constant 0 : i32
    %dma_start3A_59 = arith.constant 0 : i32
    %dma_start3A_60 = arith.constant 0 : i32
    %dma_start3A_61 = arith.constant 0 : i32
    %dma_start3A_62 = tpu.memref_slice %arg12[%dma_start3A_58, %dma_start3A_60, %dma_start3A_61] : memref<2x40x128xf32, #tpu.memory_space<vmem>> -> memref<1x40x128xf32, #tpu.memory_space<vmem>>
    %dma_start3A_63 = tpu.memref_squeeze %dma_start3A_62 : memref<1x40x128xf32, #tpu.memory_space<vmem>> -> memref<40x128xf32, #tpu.memory_space<vmem>>
    %dma_start3A_64 = arith.constant 0 : i32
    %dma_start3A_65 = tpu.memref_slice %arg10[%dma_start3A_57, %dma_start3A_64] : memref<2x40xi32, #tpu.memory_space<vmem>> -> memref<1x40xi32, #tpu.memory_space<vmem>>
    %dma_start3A_66 = tpu.memref_squeeze %dma_start3A_65 : memref<1x40xi32, #tpu.memory_space<vmem>> -> memref<40xi32, #tpu.memory_space<vmem>>
    %dma_start3A_67 = arith.constant 0 : i32
    %dma_start3A_68 = arith.constant 0 : i32
    %dma_start3A_69 = tpu.memref_slice %arg2[%dma_start3A_67, %dma_start3A_68] : memref<10000x128xf32, #tpu.memory_space<hbm>> -> memref<10000x128xf32, #tpu.memory_space<hbm>>
    %dma_start3A_70 = tpu.memref_slice %arg20[%dma_start3A_59] : memref<2x!tpu.dma_semaphore, #tpu.memory_space<semaphore_mem>> -> memref<1x!tpu.dma_semaphore, #tpu.memory_space<semaphore_mem>>
    %dma_start3A_71 = tpu.memref_squeeze %dma_start3A_70 : memref<1x!tpu.dma_semaphore, #tpu.memory_space<semaphore_mem>> -> memref<!tpu.dma_semaphore, #tpu.memory_space<semaphore_mem>>
    tpu.enqueue_indirect_dma source(%dma_start3A_69 : memref<10000x128xf32, #tpu.memory_space<hbm>>) target(%dma_start3A_63 : memref<40x128xf32, #tpu.memory_space<vmem>>) offsets(%dma_start3A_66 : memref<40xi32, #tpu.memory_space<vmem>>) semaphore(%dma_start3A_71 : memref<!tpu.dma_semaphore, #tpu.memory_space<semaphore_mem>>)
    %dma_start3A_72 = arith.constant 0 : i32
    %dma_start3A_73 = arith.constant 0 : i32
    %dma_start3A_74 = arith.constant 0 : i32
    %dma_start3A_75 = arith.constant 0 : i32
    %dma_start3A_76 = arith.constant 0 : i32
    %dma_start3A_77 = tpu.memref_slice %arg13[%dma_start3A_73, %dma_start3A_75, %dma_start3A_76] : memref<2x40x128xf32, #tpu.memory_space<vmem>> -> memref<1x40x128xf32, #tpu.memory_space<vmem>>
    %dma_start3A_78 = tpu.memref_squeeze %dma_start3A_77 : memref<1x40x128xf32, #tpu.memory_space<vmem>> -> memref<40x128xf32, #tpu.memory_space<vmem>>
    %dma_start3A_79 = arith.constant 0 : i32
    %dma_start3A_80 = tpu.memref_slice %arg11[%dma_start3A_72, %dma_start3A_79] : memref<2x40xi32, #tpu.memory_space<vmem>> -> memref<1x40xi32, #tpu.memory_space<vmem>>
    %dma_start3A_81 = tpu.memref_squeeze %dma_start3A_80 : memref<1x40xi32, #tpu.memory_space<vmem>> -> memref<40xi32, #tpu.memory_space<vmem>>
    %dma_start3A_82 = arith.constant 0 : i32
    %dma_start3A_83 = arith.constant 0 : i32
    %dma_start3A_84 = tpu.memref_slice %arg3[%dma_start3A_82, %dma_start3A_83] : memref<10000x128xf32, #tpu.memory_space<hbm>> -> memref<10000x128xf32, #tpu.memory_space<hbm>>
    %dma_start3A_85 = tpu.memref_slice %arg21[%dma_start3A_74] : memref<2x!tpu.dma_semaphore, #tpu.memory_space<semaphore_mem>> -> memref<1x!tpu.dma_semaphore, #tpu.memory_space<semaphore_mem>>
    %dma_start3A_86 = tpu.memref_squeeze %dma_start3A_85 : memref<1x!tpu.dma_semaphore, #tpu.memory_space<semaphore_mem>> -> memref<!tpu.dma_semaphore, #tpu.memory_space<semaphore_mem>>
    tpu.enqueue_indirect_dma source(%dma_start3A_84 : memref<10000x128xf32, #tpu.memory_space<hbm>>) target(%dma_start3A_78 : memref<40x128xf32, #tpu.memory_space<vmem>>) offsets(%dma_start3A_81 : memref<40xi32, #tpu.memory_space<vmem>>) semaphore(%dma_start3A_86 : memref<!tpu.dma_semaphore, #tpu.memory_space<semaphore_mem>>)
    %dma_start3A_87 = arith.constant 0 : i32
    %dma_start3A_88 = arith.constant 0 : i32
    %dma_start3A_89 = arith.constant 0 : i32
    %dma_start3A_90 = arith.constant 0 : i32
    %dma_start3A_91 = tpu.memref_slice %arg14[%dma_start3A_87, %dma_start3A_89, %dma_start3A_90] : memref<2x40x128xf32, #tpu.memory_space<vmem>> -> memref<1x40x128xf32, #tpu.memory_space<vmem>>
    %dma_start3A_92 = tpu.memref_squeeze %dma_start3A_91 : memref<1x40x128xf32, #tpu.memory_space<vmem>> -> memref<40x128xf32, #tpu.memory_space<vmem>>
    %dma_start3A_93 = arith.constant 0 : i32
    %dma_start3A_94 = tpu.memref_slice %arg4[%add3A_56, %dma_start3A_93] : memref<320000x128xf32, #tpu.memory_space<hbm>> -> memref<40x128xf32, #tpu.memory_space<hbm>>
    %dma_start3A_95 = tpu.memref_slice %arg22[%dma_start3A_88] : memref<2x!tpu.dma_semaphore, #tpu.memory_space<semaphore_mem>> -> memref<1x!tpu.dma_semaphore, #tpu.memory_space<semaphore_mem>>
    %dma_start3A_96 = tpu.memref_squeeze %dma_start3A_95 : memref<1x!tpu.dma_semaphore, #tpu.memory_space<semaphore_mem>> -> memref<!tpu.dma_semaphore, #tpu.memory_space<semaphore_mem>>
    %dma_start3A_97 = arith.constant 0 : i32
    %dma_start3A_98 = arith.constant 0 : i32
    %dma_start3A_99 = tpu.memref_slice %arg14[%dma_start3A_87, %dma_start3A_97, %dma_start3A_98] : memref<2x40x128xf32, #tpu.memory_space<vmem>> -> memref<1x40x128xf32, #tpu.memory_space<vmem>>
    %dma_start3A_100 = tpu.memref_squeeze %dma_start3A_99 : memref<1x40x128xf32, #tpu.memory_space<vmem>> -> memref<40x128xf32, #tpu.memory_space<vmem>>
    %dma_start3A_101 = arith.constant 0 : i32
    %dma_start3A_102 = tpu.memref_slice %arg4[%add3A_56, %dma_start3A_101] : memref<320000x128xf32, #tpu.memory_space<hbm>> -> memref<40x128xf32, #tpu.memory_space<hbm>>
    tpu.enqueue_dma source(%dma_start3A_102 : memref<40x128xf32, #tpu.memory_space<hbm>>) target(%dma_start3A_100 : memref<40x128xf32, #tpu.memory_space<vmem>>) target_semaphore(%dma_start3A_96 : memref<!tpu.dma_semaphore, #tpu.memory_space<semaphore_mem>>)
    %add3A_103 = arith.constant 40 : i32
    %add3A_104 = arith.addi %mul3A_6, %add3A_103 : i32
    %dma_start3A_105 = arith.constant 1 : i32
    %dma_start3A_106 = arith.constant 1 : i32
    %dma_start3A_107 = arith.constant 0 : i32
    %dma_start3A_108 = tpu.memref_slice %arg10[%dma_start3A_105, %dma_start3A_107] : memref<2x40xi32, #tpu.memory_space<vmem>> -> memref<1x40xi32, #tpu.memory_space<vmem>>
    %dma_start3A_109 = tpu.memref_squeeze %dma_start3A_108 : memref<1x40xi32, #tpu.memory_space<vmem>> -> memref<40xi32, #tpu.memory_space<vmem>>
    %dma_start3A_110 = tpu.memref_slice %arg5[%add3A_104] : memref<320000xi32, #tpu.memory_space<hbm>> -> memref<40xi32, #tpu.memory_space<hbm>>
    %dma_start3A_111 = tpu.memref_slice %arg18[%dma_start3A_106] : memref<2x!tpu.dma_semaphore, #tpu.memory_space<semaphore_mem>> -> memref<1x!tpu.dma_semaphore, #tpu.memory_space<semaphore_mem>>
    %dma_start3A_112 = tpu.memref_squeeze %dma_start3A_111 : memref<1x!tpu.dma_semaphore, #tpu.memory_space<semaphore_mem>> -> memref<!tpu.dma_semaphore, #tpu.memory_space<semaphore_mem>>
    %dma_start3A_113 = arith.constant 0 : i32
    %dma_start3A_114 = tpu.memref_slice %arg10[%dma_start3A_105, %dma_start3A_113] : memref<2x40xi32, #tpu.memory_space<vmem>> -> memref<1x40xi32, #tpu.memory_space<vmem>>
    %dma_start3A_115 = tpu.memref_squeeze %dma_start3A_114 : memref<1x40xi32, #tpu.memory_space<vmem>> -> memref<40xi32, #tpu.memory_space<vmem>>
    %dma_start3A_116 = tpu.memref_slice %arg5[%add3A_104] : memref<320000xi32, #tpu.memory_space<hbm>> -> memref<40xi32, #tpu.memory_space<hbm>>
    tpu.enqueue_dma source(%dma_start3A_116 : memref<40xi32, #tpu.memory_space<hbm>>) target(%dma_start3A_115 : memref<40xi32, #tpu.memory_space<vmem>>) target_semaphore(%dma_start3A_112 : memref<!tpu.dma_semaphore, #tpu.memory_space<semaphore_mem>>)
    %dma_start3A_117 = arith.constant 1 : i32
    %dma_start3A_118 = arith.constant 1 : i32
    %dma_start3A_119 = arith.constant 0 : i32
    %dma_start3A_120 = tpu.memref_slice %arg11[%dma_start3A_117, %dma_start3A_119] : memref<2x40xi32, #tpu.memory_space<vmem>> -> memref<1x40xi32, #tpu.memory_space<vmem>>
    %dma_start3A_121 = tpu.memref_squeeze %dma_start3A_120 : memref<1x40xi32, #tpu.memory_space<vmem>> -> memref<40xi32, #tpu.memory_space<vmem>>
    %dma_start3A_122 = tpu.memref_slice %arg6[%add3A_104] : memref<320000xi32, #tpu.memory_space<hbm>> -> memref<40xi32, #tpu.memory_space<hbm>>
    %dma_start3A_123 = tpu.memref_slice %arg19[%dma_start3A_118] : memref<2x!tpu.dma_semaphore, #tpu.memory_space<semaphore_mem>> -> memref<1x!tpu.dma_semaphore, #tpu.memory_space<semaphore_mem>>
    %dma_start3A_124 = tpu.memref_squeeze %dma_start3A_123 : memref<1x!tpu.dma_semaphore, #tpu.memory_space<semaphore_mem>> -> memref<!tpu.dma_semaphore, #tpu.memory_space<semaphore_mem>>
    %dma_start3A_125 = arith.constant 0 : i32
    %dma_start3A_126 = tpu.memref_slice %arg11[%dma_start3A_117, %dma_start3A_125] : memref<2x40xi32, #tpu.memory_space<vmem>> -> memref<1x40xi32, #tpu.memory_space<vmem>>
    %dma_start3A_127 = tpu.memref_squeeze %dma_start3A_126 : memref<1x40xi32, #tpu.memory_space<vmem>> -> memref<40xi32, #tpu.memory_space<vmem>>
    %dma_start3A_128 = tpu.memref_slice %arg6[%add3A_104] : memref<320000xi32, #tpu.memory_space<hbm>> -> memref<40xi32, #tpu.memory_space<hbm>>
    tpu.enqueue_dma source(%dma_start3A_128 : memref<40xi32, #tpu.memory_space<hbm>>) target(%dma_start3A_127 : memref<40xi32, #tpu.memory_space<vmem>>) target_semaphore(%dma_start3A_124 : memref<!tpu.dma_semaphore, #tpu.memory_space<semaphore_mem>>)
    %get3A = arith.constant 0 : index
    %get3A_129 = tpu.vector_load %arg16[%get3A] {strides = array<i32>} : memref<144xf32, #tpu.memory_space<vmem>>, vector<16xf32>,
    %get3A_130 = vector.shape_cast %get3A_129 : vector<16xf32> to vector<16xf32>
    %get3A_131 = arith.constant 16 : index
    %get3A_132 = tpu.vector_load %arg16[%get3A_131] {strides = array<i32>} : memref<144xf32, #tpu.memory_space<vmem>>, vector<16xf32>,
    %get3A_133 = vector.shape_cast %get3A_132 : vector<16xf32> to vector<16xf32>
    %get3A_134 = arith.constant 32 : index
    %get3A_135 = tpu.vector_load %arg16[%get3A_134] {strides = array<i32>} : memref<144xf32, #tpu.memory_space<vmem>>, vector<16xf32>,
    %get3A_136 = vector.shape_cast %get3A_135 : vector<16xf32> to vector<16xf32>
    %get3A_137 = arith.constant 48 : index
    %get3A_138 = tpu.vector_load %arg16[%get3A_137] {strides = array<i32>} : memref<144xf32, #tpu.memory_space<vmem>>, vector<16xf32>,
    %get3A_139 = vector.shape_cast %get3A_138 : vector<16xf32> to vector<16xf32>
    %get3A_140 = arith.constant 64 : index
    %get3A_141 = tpu.vector_load %arg16[%get3A_140] {strides = array<i32>} : memref<144xf32, #tpu.memory_space<vmem>>, vector<16xf32>,
    %get3A_142 = vector.shape_cast %get3A_141 : vector<16xf32> to vector<16xf32>
    %get3A_143 = arith.constant 80 : index
    %get3A_144 = tpu.vector_load %arg16[%get3A_143] {strides = array<i32>} : memref<144xf32, #tpu.memory_space<vmem>>, vector<16xf32>,
    %get3A_145 = vector.shape_cast %get3A_144 : vector<16xf32> to vector<16xf32>
    %get3A_146 = arith.constant 96 : index
    %get3A_147 = tpu.vector_load %arg16[%get3A_146] {strides = array<i32>} : memref<144xf32, #tpu.memory_space<vmem>>, vector<16xf32>,
    %get3A_148 = vector.shape_cast %get3A_147 : vector<16xf32> to vector<16xf32>
    %get3A_149 = arith.constant 112 : index
    %get3A_150 = tpu.vector_load %arg16[%get3A_149] {strides = array<i32>} : memref<144xf32, #tpu.memory_space<vmem>>, vector<16xf32>,
    %get3A_151 = vector.shape_cast %get3A_150 : vector<16xf32> to vector<16xf32>
    %get3A_152 = arith.constant 128 : index
    %get3A_153 = tpu.vector_load %arg16[%get3A_152] {strides = array<i32>} : memref<144xf32, #tpu.memory_space<vmem>>, vector<16xf32>,
    %get3A_154 = vector.shape_cast %get3A_153 : vector<16xf32> to vector<16xf32>
    %scan3A = arith.constant 0 : i32
    %scan3A_155 = arith.constant 0 : i32
    %scan3A_156 = arith.constant 250 : i32
    %scan3A_157 = arith.addi %scan3A_155, %scan3A_156 : i32
    %scan3A_158 = arith.constant 1 : i32
    scf.for %scan3A_242 = %scan3A_155 to %scan3A_157 step %scan3A_158  : i32 {
      %rem3A = arith.constant 2 : i32
      %rem3A_243 = arith.remsi %scan3A_242, %rem3A : i32
      %sub3A = arith.constant 1 : i32
      %sub3A_244 = arith.subi %sub3A, %rem3A_243 : i32
      %dma_wait3A_245 = arith.constant 0 : i32
      %dma_wait3A_246 = tpu.memref_slice %arg10[%sub3A_244, %dma_wait3A_245] : memref<2x40xi32, #tpu.memory_space<vmem>> -> memref<1x40xi32, #tpu.memory_space<vmem>>
      %dma_wait3A_247 = tpu.memref_squeeze %dma_wait3A_246 : memref<1x40xi32, #tpu.memory_space<vmem>> -> memref<40xi32, #tpu.memory_space<vmem>>
      %dma_wait3A_248 = arith.constant 0 : i32
      %dma_wait3A_249 = tpu.memref_slice %arg5[%dma_wait3A_248] : memref<320000xi32, #tpu.memory_space<hbm>> -> memref<40xi32, #tpu.memory_space<hbm>>
      %dma_wait3A_250 = tpu.memref_slice %arg18[%sub3A_244] : memref<2x!tpu.dma_semaphore, #tpu.memory_space<semaphore_mem>> -> memref<1x!tpu.dma_semaphore, #tpu.memory_space<semaphore_mem>>
      %dma_wait3A_251 = tpu.memref_squeeze %dma_wait3A_250 : memref<1x!tpu.dma_semaphore, #tpu.memory_space<semaphore_mem>> -> memref<!tpu.dma_semaphore, #tpu.memory_space<semaphore_mem>>
      %dma_wait3A_252 = arith.constant 0 : i32
      %dma_wait3A_253 = tpu.memref_slice %arg10[%sub3A_244, %dma_wait3A_252] : memref<2x40xi32, #tpu.memory_space<vmem>> -> memref<1x40xi32, #tpu.memory_space<vmem>>
      %dma_wait3A_254 = tpu.memref_squeeze %dma_wait3A_253 : memref<1x40xi32, #tpu.memory_space<vmem>> -> memref<40xi32, #tpu.memory_space<vmem>>
      %dma_wait3A_255 = arith.constant 0 : i32
      %dma_wait3A_256 = tpu.memref_slice %arg5[%dma_wait3A_255] : memref<320000xi32, #tpu.memory_space<hbm>> -> memref<40xi32, #tpu.memory_space<hbm>>
      tpu.wait_dma2 semaphore(%dma_wait3A_251 : memref<!tpu.dma_semaphore, #tpu.memory_space<semaphore_mem>>) src(%dma_wait3A_256 : memref<40xi32, #tpu.memory_space<hbm>>) dst(%dma_wait3A_254 : memref<40xi32, #tpu.memory_space<vmem>>)
      %dma_wait3A_257 = arith.constant 0 : i32
      %dma_wait3A_258 = tpu.memref_slice %arg11[%sub3A_244, %dma_wait3A_257] : memref<2x40xi32, #tpu.memory_space<vmem>> -> memref<1x40xi32, #tpu.memory_space<vmem>>
      %dma_wait3A_259 = tpu.memref_squeeze %dma_wait3A_258 : memref<1x40xi32, #tpu.memory_space<vmem>> -> memref<40xi32, #tpu.memory_space<vmem>>
      %dma_wait3A_260 = arith.constant 0 : i32
      %dma_wait3A_261 = tpu.memref_slice %arg6[%dma_wait3A_260] : memref<320000xi32, #tpu.memory_space<hbm>> -> memref<40xi32, #tpu.memory_space<hbm>>
      %dma_wait3A_262 = tpu.memref_slice %arg19[%sub3A_244] : memref<2x!tpu.dma_semaphore, #tpu.memory_space<semaphore_mem>> -> memref<1x!tpu.dma_semaphore, #tpu.memory_space<semaphore_mem>>
      %dma_wait3A_263 = tpu.memref_squeeze %dma_wait3A_262 : memref<1x!tpu.dma_semaphore, #tpu.memory_space<semaphore_mem>> -> memref<!tpu.dma_semaphore, #tpu.memory_space<semaphore_mem>>
      %dma_wait3A_264 = arith.constant 0 : i32
      %dma_wait3A_265 = tpu.memref_slice %arg11[%sub3A_244, %dma_wait3A_264] : memref<2x40xi32, #tpu.memory_space<vmem>> -> memref<1x40xi32, #tpu.memory_space<vmem>>
      %dma_wait3A_266 = tpu.memref_squeeze %dma_wait3A_265 : memref<1x40xi32, #tpu.memory_space<vmem>> -> memref<40xi32, #tpu.memory_space<vmem>>
      %dma_wait3A_267 = arith.constant 0 : i32
      %dma_wait3A_268 = tpu.memref_slice %arg6[%dma_wait3A_267] : memref<320000xi32, #tpu.memory_space<hbm>> -> memref<40xi32, #tpu.memory_space<hbm>>
      tpu.wait_dma2 semaphore(%dma_wait3A_263 : memref<!tpu.dma_semaphore, #tpu.memory_space<semaphore_mem>>) src(%dma_wait3A_268 : memref<40xi32, #tpu.memory_space<hbm>>) dst(%dma_wait3A_266 : memref<40xi32, #tpu.memory_space<vmem>>)
      %add3A_269 = arith.constant 1 : i32
      %add3A_270 = arith.addi %scan3A_242, %add3A_269 : i32
      %min3A = arith.constant 249 : i32
      %min3A_271 = arith.minsi %add3A_270, %min3A : i32
      %mul3A_272 = arith.constant 40 : i32
      %mul3A_273 = arith.muli %min3A_271, %mul3A_272 : i32
      %add3A_274 = arith.addi %mul3A_6, %mul3A_273 : i32
      %dma_start3A_275 = arith.constant 0 : i32
      %dma_start3A_276 = arith.constant 0 : i32
      %dma_start3A_277 = tpu.memref_slice %arg12[%sub3A_244, %dma_start3A_275, %dma_start3A_276] : memref<2x40x128xf32, #tpu.memory_space<vmem>> -> memref<1x40x128xf32, #tpu.memory_space<vmem>>
      %dma_start3A_278 = tpu.memref_squeeze %dma_start3A_277 : memref<1x40x128xf32, #tpu.memory_space<vmem>> -> memref<40x128xf32, #tpu.memory_space<vmem>>
      %dma_start3A_279 = arith.constant 0 : i32
      %dma_start3A_280 = tpu.memref_slice %arg10[%sub3A_244, %dma_start3A_279] : memref<2x40xi32, #tpu.memory_space<vmem>> -> memref<1x40xi32, #tpu.memory_space<vmem>>
      %dma_start3A_281 = tpu.memref_squeeze %dma_start3A_280 : memref<1x40xi32, #tpu.memory_space<vmem>> -> memref<40xi32, #tpu.memory_space<vmem>>
      %dma_start3A_282 = arith.constant 0 : i32
      %dma_start3A_283 = arith.constant 0 : i32
      %dma_start3A_284 = tpu.memref_slice %arg2[%dma_start3A_282, %dma_start3A_283] : memref<10000x128xf32, #tpu.memory_space<hbm>> -> memref<10000x128xf32, #tpu.memory_space<hbm>>
      %dma_start3A_285 = tpu.memref_slice %arg20[%sub3A_244] : memref<2x!tpu.dma_semaphore, #tpu.memory_space<semaphore_mem>> -> memref<1x!tpu.dma_semaphore, #tpu.memory_space<semaphore_mem>>
      %dma_start3A_286 = tpu.memref_squeeze %dma_start3A_285 : memref<1x!tpu.dma_semaphore, #tpu.memory_space<semaphore_mem>> -> memref<!tpu.dma_semaphore, #tpu.memory_space<semaphore_mem>>
      tpu.enqueue_indirect_dma source(%dma_start3A_284 : memref<10000x128xf32, #tpu.memory_space<hbm>>) target(%dma_start3A_278 : memref<40x128xf32, #tpu.memory_space<vmem>>) offsets(%dma_start3A_281 : memref<40xi32, #tpu.memory_space<vmem>>) semaphore(%dma_start3A_286 : memref<!tpu.dma_semaphore, #tpu.memory_space<semaphore_mem>>)
      %dma_start3A_287 = arith.constant 0 : i32
      %dma_start3A_288 = arith.constant 0 : i32
      %dma_start3A_289 = tpu.memref_slice %arg13[%sub3A_244, %dma_start3A_287, %dma_start3A_288] : memref<2x40x128xf32, #tpu.memory_space<vmem>> -> memref<1x40x128xf32, #tpu.memory_space<vmem>>
      %dma_start3A_290 = tpu.memref_squeeze %dma_start3A_289 : memref<1x40x128xf32, #tpu.memory_space<vmem>> -> memref<40x128xf32, #tpu.memory_space<vmem>>
      %dma_start3A_291 = arith.constant 0 : i32
      %dma_start3A_292 = tpu.memref_slice %arg11[%sub3A_244, %dma_start3A_291] : memref<2x40xi32, #tpu.memory_space<vmem>> -> memref<1x40xi32, #tpu.memory_space<vmem>>
      %dma_start3A_293 = tpu.memref_squeeze %dma_start3A_292 : memref<1x40xi32, #tpu.memory_space<vmem>> -> memref<40xi32, #tpu.memory_space<vmem>>
      %dma_start3A_294 = arith.constant 0 : i32
      %dma_start3A_295 = arith.constant 0 : i32
      %dma_start3A_296 = tpu.memref_slice %arg3[%dma_start3A_294, %dma_start3A_295] : memref<10000x128xf32, #tpu.memory_space<hbm>> -> memref<10000x128xf32, #tpu.memory_space<hbm>>
      %dma_start3A_297 = tpu.memref_slice %arg21[%sub3A_244] : memref<2x!tpu.dma_semaphore, #tpu.memory_space<semaphore_mem>> -> memref<1x!tpu.dma_semaphore, #tpu.memory_space<semaphore_mem>>
      %dma_start3A_298 = tpu.memref_squeeze %dma_start3A_297 : memref<1x!tpu.dma_semaphore, #tpu.memory_space<semaphore_mem>> -> memref<!tpu.dma_semaphore, #tpu.memory_space<semaphore_mem>>
      tpu.enqueue_indirect_dma source(%dma_start3A_296 : memref<10000x128xf32, #tpu.memory_space<hbm>>) target(%dma_start3A_290 : memref<40x128xf32, #tpu.memory_space<vmem>>) offsets(%dma_start3A_293 : memref<40xi32, #tpu.memory_space<vmem>>) semaphore(%dma_start3A_298 : memref<!tpu.dma_semaphore, #tpu.memory_space<semaphore_mem>>)
      %dma_start3A_299 = arith.constant 0 : i32
      %dma_start3A_300 = arith.constant 0 : i32
      %dma_start3A_301 = tpu.memref_slice %arg14[%sub3A_244, %dma_start3A_299, %dma_start3A_300] : memref<2x40x128xf32, #tpu.memory_space<vmem>> -> memref<1x40x128xf32, #tpu.memory_space<vmem>>
      %dma_start3A_302 = tpu.memref_squeeze %dma_start3A_301 : memref<1x40x128xf32, #tpu.memory_space<vmem>> -> memref<40x128xf32, #tpu.memory_space<vmem>>
      %dma_start3A_303 = arith.constant 0 : i32
      %dma_start3A_304 = tpu.memref_slice %arg4[%add3A_274, %dma_start3A_303] : memref<320000x128xf32, #tpu.memory_space<hbm>> -> memref<40x128xf32, #tpu.memory_space<hbm>>
      %dma_start3A_305 = tpu.memref_slice %arg22[%sub3A_244] : memref<2x!tpu.dma_semaphore, #tpu.memory_space<semaphore_mem>> -> memref<1x!tpu.dma_semaphore, #tpu.memory_space<semaphore_mem>>
      %dma_start3A_306 = tpu.memref_squeeze %dma_start3A_305 : memref<1x!tpu.dma_semaphore, #tpu.memory_space<semaphore_mem>> -> memref<!tpu.dma_semaphore, #tpu.memory_space<semaphore_mem>>
      %dma_start3A_307 = arith.constant 0 : i32
      %dma_start3A_308 = arith.constant 0 : i32
      %dma_start3A_309 = tpu.memref_slice %arg14[%sub3A_244, %dma_start3A_307, %dma_start3A_308] : memref<2x40x128xf32, #tpu.memory_space<vmem>> -> memref<1x40x128xf32, #tpu.memory_space<vmem>>
      %dma_start3A_310 = tpu.memref_squeeze %dma_start3A_309 : memref<1x40x128xf32, #tpu.memory_space<vmem>> -> memref<40x128xf32, #tpu.memory_space<vmem>>
      %dma_start3A_311 = arith.constant 0 : i32
      %dma_start3A_312 = tpu.memref_slice %arg4[%add3A_274, %dma_start3A_311] : memref<320000x128xf32, #tpu.memory_space<hbm>> -> memref<40x128xf32, #tpu.memory_space<hbm>>
      tpu.enqueue_dma source(%dma_start3A_312 : memref<40x128xf32, #tpu.memory_space<hbm>>) target(%dma_start3A_310 : memref<40x128xf32, #tpu.memory_space<vmem>>) target_semaphore(%dma_start3A_306 : memref<!tpu.dma_semaphore, #tpu.memory_space<semaphore_mem>>)
      %dma_wait3A_313 = arith.constant 0 : i32
      %dma_wait3A_314 = arith.constant 0 : i32
      %dma_wait3A_315 = tpu.memref_slice %arg12[%rem3A_243, %dma_wait3A_313, %dma_wait3A_314] : memref<2x40x128xf32, #tpu.memory_space<vmem>> -> memref<1x40x128xf32, #tpu.memory_space<vmem>>
      %dma_wait3A_316 = tpu.memref_squeeze %dma_wait3A_315 : memref<1x40x128xf32, #tpu.memory_space<vmem>> -> memref<40x128xf32, #tpu.memory_space<vmem>>
      %dma_wait3A_317 = arith.constant 0 : i32
      %dma_wait3A_318 = tpu.memref_slice %arg10[%rem3A_243, %dma_wait3A_317] : memref<2x40xi32, #tpu.memory_space<vmem>> -> memref<1x40xi32, #tpu.memory_space<vmem>>
      %dma_wait3A_319 = tpu.memref_squeeze %dma_wait3A_318 : memref<1x40xi32, #tpu.memory_space<vmem>> -> memref<40xi32, #tpu.memory_space<vmem>>
      %dma_wait3A_320 = arith.constant 0 : i32
      %dma_wait3A_321 = arith.constant 0 : i32
      %dma_wait3A_322 = tpu.memref_slice %arg2[%dma_wait3A_320, %dma_wait3A_321] : memref<10000x128xf32, #tpu.memory_space<hbm>> -> memref<10000x128xf32, #tpu.memory_space<hbm>>
      %dma_wait3A_323 = tpu.memref_slice %arg20[%rem3A_243] : memref<2x!tpu.dma_semaphore, #tpu.memory_space<semaphore_mem>> -> memref<1x!tpu.dma_semaphore, #tpu.memory_space<semaphore_mem>>
      %dma_wait3A_324 = tpu.memref_squeeze %dma_wait3A_323 : memref<1x!tpu.dma_semaphore, #tpu.memory_space<semaphore_mem>> -> memref<!tpu.dma_semaphore, #tpu.memory_space<semaphore_mem>>
      tpu.wait_indirect_dma semaphore(%dma_wait3A_324 : memref<!tpu.dma_semaphore, #tpu.memory_space<semaphore_mem>>) src(%dma_wait3A_322 : memref<10000x128xf32, #tpu.memory_space<hbm>>) dst(%dma_wait3A_316 : memref<40x128xf32, #tpu.memory_space<vmem>>)
      %dma_wait3A_325 = arith.constant 0 : i32
      %dma_wait3A_326 = arith.constant 0 : i32
      %dma_wait3A_327 = tpu.memref_slice %arg13[%rem3A_243, %dma_wait3A_325, %dma_wait3A_326] : memref<2x40x128xf32, #tpu.memory_space<vmem>> -> memref<1x40x128xf32, #tpu.memory_space<vmem>>
      %dma_wait3A_328 = tpu.memref_squeeze %dma_wait3A_327 : memref<1x40x128xf32, #tpu.memory_space<vmem>> -> memref<40x128xf32, #tpu.memory_space<vmem>>
      %dma_wait3A_329 = arith.constant 0 : i32
      %dma_wait3A_330 = tpu.memref_slice %arg11[%rem3A_243, %dma_wait3A_329] : memref<2x40xi32, #tpu.memory_space<vmem>> -> memref<1x40xi32, #tpu.memory_space<vmem>>
      %dma_wait3A_331 = tpu.memref_squeeze %dma_wait3A_330 : memref<1x40xi32, #tpu.memory_space<vmem>> -> memref<40xi32, #tpu.memory_space<vmem>>
      %dma_wait3A_332 = arith.constant 0 : i32
      %dma_wait3A_333 = arith.constant 0 : i32
      %dma_wait3A_334 = tpu.memref_slice %arg3[%dma_wait3A_332, %dma_wait3A_333] : memref<10000x128xf32, #tpu.memory_space<hbm>> -> memref<10000x128xf32, #tpu.memory_space<hbm>>
      %dma_wait3A_335 = tpu.memref_slice %arg21[%rem3A_243] : memref<2x!tpu.dma_semaphore, #tpu.memory_space<semaphore_mem>> -> memref<1x!tpu.dma_semaphore, #tpu.memory_space<semaphore_mem>>
      %dma_wait3A_336 = tpu.memref_squeeze %dma_wait3A_335 : memref<1x!tpu.dma_semaphore, #tpu.memory_space<semaphore_mem>> -> memref<!tpu.dma_semaphore, #tpu.memory_space<semaphore_mem>>
      tpu.wait_indirect_dma semaphore(%dma_wait3A_336 : memref<!tpu.dma_semaphore, #tpu.memory_space<semaphore_mem>>) src(%dma_wait3A_334 : memref<10000x128xf32, #tpu.memory_space<hbm>>) dst(%dma_wait3A_328 : memref<40x128xf32, #tpu.memory_space<vmem>>)
      %dma_wait3A_337 = arith.constant 0 : i32
      %dma_wait3A_338 = arith.constant 0 : i32
      %dma_wait3A_339 = tpu.memref_slice %arg14[%rem3A_243, %dma_wait3A_337, %dma_wait3A_338] : memref<2x40x128xf32, #tpu.memory_space<vmem>> -> memref<1x40x128xf32, #tpu.memory_space<vmem>>
      %dma_wait3A_340 = tpu.memref_squeeze %dma_wait3A_339 : memref<1x40x128xf32, #tpu.memory_space<vmem>> -> memref<40x128xf32, #tpu.memory_space<vmem>>
      %dma_wait3A_341 = arith.constant 0 : i32
      %dma_wait3A_342 = arith.constant 0 : i32
      %dma_wait3A_343 = tpu.memref_slice %arg4[%dma_wait3A_341, %dma_wait3A_342] : memref<320000x128xf32, #tpu.memory_space<hbm>> -> memref<40x128xf32, #tpu.memory_space<hbm>>
      %dma_wait3A_344 = tpu.memref_slice %arg22[%rem3A_243] : memref<2x!tpu.dma_semaphore, #tpu.memory_space<semaphore_mem>> -> memref<1x!tpu.dma_semaphore, #tpu.memory_space<semaphore_mem>>
      %dma_wait3A_345 = tpu.memref_squeeze %dma_wait3A_344 : memref<1x!tpu.dma_semaphore, #tpu.memory_space<semaphore_mem>> -> memref<!tpu.dma_semaphore, #tpu.memory_space<semaphore_mem>>
      %dma_wait3A_346 = arith.constant 0 : i32
      %dma_wait3A_347 = arith.constant 0 : i32
      %dma_wait3A_348 = tpu.memref_slice %arg14[%rem3A_243, %dma_wait3A_346, %dma_wait3A_347] : memref<2x40x128xf32, #tpu.memory_space<vmem>> -> memref<1x40x128xf32, #tpu.memory_space<vmem>>
      %dma_wait3A_349 = tpu.memref_squeeze %dma_wait3A_348 : memref<1x40x128xf32, #tpu.memory_space<vmem>> -> memref<40x128xf32, #tpu.memory_space<vmem>>
      %dma_wait3A_350 = arith.constant 0 : i32
      %dma_wait3A_351 = arith.constant 0 : i32
      %dma_wait3A_352 = tpu.memref_slice %arg4[%dma_wait3A_350, %dma_wait3A_351] : memref<320000x128xf32, #tpu.memory_space<hbm>> -> memref<40x128xf32, #tpu.memory_space<hbm>>
      tpu.wait_dma2 semaphore(%dma_wait3A_345 : memref<!tpu.dma_semaphore, #tpu.memory_space<semaphore_mem>>) src(%dma_wait3A_352 : memref<40x128xf32, #tpu.memory_space<hbm>>) dst(%dma_wait3A_349 : memref<40x128xf32, #tpu.memory_space<vmem>>)
      %get3A_353 = arith.constant 0 : i32
      %get3A_354 = arith.index_cast %rem3A_243 : i32 to index
      %get3A_355 = arith.index_cast %get3A_353 : i32 to index
      %get3A_356 = arith.constant 0 : index
      %get3A_357 = tpu.vector_load %arg12[%get3A_354, %get3A_355, %get3A_356] {strides = array<i32>} : memref<2x40x128xf32, #tpu.memory_space<vmem>>, vector<1x1x16xf32>,
      %get3A_358 = vector.shape_cast %get3A_357 : vector<1x1x16xf32> to vector<16xf32>
      %get3A_359 = arith.constant 0 : i32
      %get3A_360 = arith.index_cast %rem3A_243 : i32 to index
      %get3A_361 = arith.index_cast %get3A_359 : i32 to index
      %get3A_362 = arith.constant 0 : index
      %get3A_363 = tpu.vector_load %arg13[%get3A_360, %get3A_361, %get3A_362] {strides = array<i32>} : memref<2x40x128xf32, #tpu.memory_space<vmem>>, vector<1x1x16xf32>,
      %get3A_364 = vector.shape_cast %get3A_363 : vector<1x1x16xf32> to vector<16xf32>
      %add3A_365 = arith.addf %get3A_358, %get3A_364 : vector<16xf32>
      %get3A_366 = arith.constant 0 : i32
      %get3A_367 = arith.index_cast %rem3A_243 : i32 to index
      %get3A_368 = arith.index_cast %get3A_366 : i32 to index
      %get3A_369 = arith.constant 0 : index
      %get3A_370 = tpu.vector_load %arg14[%get3A_367, %get3A_368, %get3A_369] {strides = array<i32>} : memref<2x40x128xf32, #tpu.memory_space<vmem>>, vector<1x1x16xf32>,
      %get3A_371 = vector.shape_cast %get3A_370 : vector<1x1x16xf32> to vector<16xf32>
      %add3A_372 = arith.addf %add3A_365, %get3A_371 : vector<16xf32>
      %neg3A = arith.constant 0.000000e+00 : f32
      %neg3A_373 = vector.broadcast %neg3A : f32 to vector<16xf32>
      %neg3A_374 = arith.subf %neg3A_373, %add3A_372 : vector<16xf32>
      %exp3A = math.exp %neg3A_374 : vector<16xf32>
      %add3A_375 = arith.constant 1.000000e+00 : f32
      %add3A_376 = vector.broadcast %add3A_375 : f32 to vector<16xf32>
      %add3A_377 = arith.addf %add3A_376, %exp3A : vector<16xf32>
      %div3A = arith.divf %add3A_372, %add3A_377 : vector<16xf32>
      %mul3A_378 = arith.mulf %div3A, %get3A_130 : vector<16xf32>
      %get3A_379 = arith.constant 0 : i32
      %get3A_380 = arith.index_cast %rem3A_243 : i32 to index
      %get3A_381 = arith.index_cast %get3A_379 : i32 to index
      %get3A_382 = arith.constant 16 : index
      %get3A_383 = tpu.vector_load %arg12[%get3A_380, %get3A_381, %get3A_382] {strides = array<i32>} : memref<2x40x128xf32, #tpu.memory_space<vmem>>, vector<1x1x16xf32>,
      %get3A_384 = vector.shape_cast %get3A_383 : vector<1x1x16xf32> to vector<16xf32>
      %get3A_385 = arith.constant 0 : i32
      %get3A_386 = arith.index_cast %rem3A_243 : i32 to index
      %get3A_387 = arith.index_cast %get3A_385 : i32 to index
      %get3A_388 = arith.constant 16 : index
      %get3A_389 = tpu.vector_load %arg13[%get3A_386, %get3A_387, %get3A_388] {strides = array<i32>} : memref<2x40x128xf32, #tpu.memory_space<vmem>>, vector<1x1x16xf32>,
      %get3A_390 = vector.shape_cast %get3A_389 : vector<1x1x16xf32> to vector<16xf32>
      %add3A_391 = arith.addf %get3A_384, %get3A_390 : vector<16xf32>
      %get3A_392 = arith.constant 0 : i32
      %get3A_393 = arith.index_cast %rem3A_243 : i32 to index
      %get3A_394 = arith.index_cast %get3A_392 : i32 to index
      %get3A_395 = arith.constant 16 : index
      %get3A_396 = tpu.vector_load %arg14[%get3A_393, %get3A_394, %get3A_395] {strides = array<i32>} : memref<2x40x128xf32, #tpu.memory_space<vmem>>, vector<1x1x16xf32>,
      %get3A_397 = vector.shape_cast %get3A_396 : vector<1x1x16xf32> to vector<16xf32>
      %add3A_398 = arith.addf %add3A_391, %get3A_397 : vector<16xf32>
      %neg3A_399 = arith.constant 0.000000e+00 : f32
      %neg3A_400 = vector.broadcast %neg3A_399 : f32 to vector<16xf32>
      %neg3A_401 = arith.subf %neg3A_400, %add3A_398 : vector<16xf32>
      %exp3A_402 = math.exp %neg3A_401 : vector<16xf32>
      %add3A_403 = arith.constant 1.000000e+00 : f32
      %add3A_404 = vector.broadcast %add3A_403 : f32 to vector<16xf32>
      %add3A_405 = arith.addf %add3A_404, %exp3A_402 : vector<16xf32>
      %div3A_406 = arith.divf %add3A_398, %add3A_405 : vector<16xf32>
      %mul3A_407 = arith.mulf %div3A_406, %get3A_133 : vector<16xf32>
      %get3A_408 = arith.constant 0 : i32
      %get3A_409 = arith.index_cast %rem3A_243 : i32 to index
      %get3A_410 = arith.index_cast %get3A_408 : i32 to index
      %get3A_411 = arith.constant 32 : index
      %get3A_412 = tpu.vector_load %arg12[%get3A_409, %get3A_410, %get3A_411] {strides = array<i32>} : memref<2x40x128xf32, #tpu.memory_space<vmem>>, vector<1x1x16xf32>,
      %get3A_413 = vector.shape_cast %get3A_412 : vector<1x1x16xf32> to vector<16xf32>
      %get3A_414 = arith.constant 0 : i32
      %get3A_415 = arith.index_cast %rem3A_243 : i32 to index
      %get3A_416 = arith.index_cast %get3A_414 : i32 to index
      %get3A_417 = arith.constant 32 : index
      %get3A_418 = tpu.vector_load %arg13[%get3A_415, %get3A_416, %get3A_417] {strides = array<i32>} : memref<2x40x128xf32, #tpu.memory_space<vmem>>, vector<1x1x16xf32>,
      %get3A_419 = vector.shape_cast %get3A_418 : vector<1x1x16xf32> to vector<16xf32>
      %add3A_420 = arith.addf %get3A_413, %get3A_419 : vector<16xf32>
      %get3A_421 = arith.constant 0 : i32
      %get3A_422 = arith.index_cast %rem3A_243 : i32 to index
      %get3A_423 = arith.index_cast %get3A_421 : i32 to index
      %get3A_424 = arith.constant 32 : index
      %get3A_425 = tpu.vector_load %arg14[%get3A_422, %get3A_423, %get3A_424] {strides = array<i32>} : memref<2x40x128xf32, #tpu.memory_space<vmem>>, vector<1x1x16xf32>,
      %get3A_426 = vector.shape_cast %get3A_425 : vector<1x1x16xf32> to vector<16xf32>
      %add3A_427 = arith.addf %add3A_420, %get3A_426 : vector<16xf32>
      %neg3A_428 = arith.constant 0.000000e+00 : f32
      %neg3A_429 = vector.broadcast %neg3A_428 : f32 to vector<16xf32>
      %neg3A_430 = arith.subf %neg3A_429, %add3A_427 : vector<16xf32>
      %exp3A_431 = math.exp %neg3A_430 : vector<16xf32>
      %add3A_432 = arith.constant 1.000000e+00 : f32
      %add3A_433 = vector.broadcast %add3A_432 : f32 to vector<16xf32>
      %add3A_434 = arith.addf %add3A_433, %exp3A_431 : vector<16xf32>
      %div3A_435 = arith.divf %add3A_427, %add3A_434 : vector<16xf32>
      %mul3A_436 = arith.mulf %div3A_435, %get3A_136 : vector<16xf32>
      %get3A_437 = arith.constant 0 : i32
      %get3A_438 = arith.index_cast %rem3A_243 : i32 to index
      %get3A_439 = arith.index_cast %get3A_437 : i32 to index
      %get3A_440 = arith.constant 48 : index
      %get3A_441 = tpu.vector_load %arg12[%get3A_438, %get3A_439, %get3A_440] {strides = array<i32>} : memref<2x40x128xf32, #tpu.memory_space<vmem>>, vector<1x1x16xf32>,
      %get3A_442 = vector.shape_cast %get3A_441 : vector<1x1x16xf32> to vector<16xf32>
      %get3A_443 = arith.constant 0 : i32
      %get3A_444 = arith.index_cast %rem3A_243 : i32 to index
      %get3A_445 = arith.index_cast %get3A_443 : i32 to index
      %get3A_446 = arith.constant 48 : index
      %get3A_447 = tpu.vector_load %arg13[%get3A_444, %get3A_445, %get3A_446] {strides = array<i32>} : memref<2x40x128xf32, #tpu.memory_space<vmem>>, vector<1x1x16xf32>,
      %get3A_448 = vector.shape_cast %get3A_447 : vector<1x1x16xf32> to vector<16xf32>
      %add3A_449 = arith.addf %get3A_442, %get3A_448 : vector<16xf32>
      %get3A_450 = arith.constant 0 : i32
      %get3A_451 = arith.index_cast %rem3A_243 : i32 to index
      %get3A_452 = arith.index_cast %get3A_450 : i32 to index
      %get3A_453 = arith.constant 48 : index
      %get3A_454 = tpu.vector_load %arg14[%get3A_451, %get3A_452, %get3A_453] {strides = array<i32>} : memref<2x40x128xf32, #tpu.memory_space<vmem>>, vector<1x1x16xf32>,
      %get3A_455 = vector.shape_cast %get3A_454 : vector<1x1x16xf32> to vector<16xf32>
      %add3A_456 = arith.addf %add3A_449, %get3A_455 : vector<16xf32>
      %neg3A_457 = arith.constant 0.000000e+00 : f32
      %neg3A_458 = vector.broadcast %neg3A_457 : f32 to vector<16xf32>
      %neg3A_459 = arith.subf %neg3A_458, %add3A_456 : vector<16xf32>
      %exp3A_460 = math.exp %neg3A_459 : vector<16xf32>
      %add3A_461 = arith.constant 1.000000e+00 : f32
      %add3A_462 = vector.broadcast %add3A_461 : f32 to vector<16xf32>
      %add3A_463 = arith.addf %add3A_462, %exp3A_460 : vector<16xf32>
      %div3A_464 = arith.divf %add3A_456, %add3A_463 : vector<16xf32>
      %mul3A_465 = arith.mulf %div3A_464, %get3A_139 : vector<16xf32>
      %get3A_466 = arith.constant 0 : i32
      %get3A_467 = arith.index_cast %rem3A_243 : i32 to index
      %get3A_468 = arith.index_cast %get3A_466 : i32 to index
      %get3A_469 = arith.constant 64 : index
      %get3A_470 = tpu.vector_load %arg12[%get3A_467, %get3A_468, %get3A_469] {strides = array<i32>} : memref<2x40x128xf32, #tpu.memory_space<vmem>>, vector<1x1x16xf32>,
      %get3A_471 = vector.shape_cast %get3A_470 : vector<1x1x16xf32> to vector<16xf32>
      %get3A_472 = arith.constant 0 : i32
      %get3A_473 = arith.index_cast %rem3A_243 : i32 to index
      %get3A_474 = arith.index_cast %get3A_472 : i32 to index
      %get3A_475 = arith.constant 64 : index
      %get3A_476 = tpu.vector_load %arg13[%get3A_473, %get3A_474, %get3A_475] {strides = array<i32>} : memref<2x40x128xf32, #tpu.memory_space<vmem>>, vector<1x1x16xf32>,
      %get3A_477 = vector.shape_cast %get3A_476 : vector<1x1x16xf32> to vector<16xf32>
      %add3A_478 = arith.addf %get3A_471, %get3A_477 : vector<16xf32>
      %get3A_479 = arith.constant 0 : i32
      %get3A_480 = arith.index_cast %rem3A_243 : i32 to index
      %get3A_481 = arith.index_cast %get3A_479 : i32 to index
      %get3A_482 = arith.constant 64 : index
      %get3A_483 = tpu.vector_load %arg14[%get3A_480, %get3A_481, %get3A_482] {strides = array<i32>} : memref<2x40x128xf32, #tpu.memory_space<vmem>>, vector<1x1x16xf32>,
      %get3A_484 = vector.shape_cast %get3A_483 : vector<1x1x16xf32> to vector<16xf32>
      %add3A_485 = arith.addf %add3A_478, %get3A_484 : vector<16xf32>
      %neg3A_486 = arith.constant 0.000000e+00 : f32
      %neg3A_487 = vector.broadcast %neg3A_486 : f32 to vector<16xf32>
      %neg3A_488 = arith.subf %neg3A_487, %add3A_485 : vector<16xf32>
      %exp3A_489 = math.exp %neg3A_488 : vector<16xf32>
      %add3A_490 = arith.constant 1.000000e+00 : f32
      %add3A_491 = vector.broadcast %add3A_490 : f32 to vector<16xf32>
      %add3A_492 = arith.addf %add3A_491, %exp3A_489 : vector<16xf32>
      %div3A_493 = arith.divf %add3A_485, %add3A_492 : vector<16xf32>
      %mul3A_494 = arith.mulf %div3A_493, %get3A_142 : vector<16xf32>
      %get3A_495 = arith.constant 0 : i32
      %get3A_496 = arith.index_cast %rem3A_243 : i32 to index
      %get3A_497 = arith.index_cast %get3A_495 : i32 to index
      %get3A_498 = arith.constant 80 : index
      %get3A_499 = tpu.vector_load %arg12[%get3A_496, %get3A_497, %get3A_498] {strides = array<i32>} : memref<2x40x128xf32, #tpu.memory_space<vmem>>, vector<1x1x16xf32>,
      %get3A_500 = vector.shape_cast %get3A_499 : vector<1x1x16xf32> to vector<16xf32>
      %get3A_501 = arith.constant 0 : i32
      %get3A_502 = arith.index_cast %rem3A_243 : i32 to index
      %get3A_503 = arith.index_cast %get3A_501 : i32 to index
      %get3A_504 = arith.constant 80 : index
      %get3A_505 = tpu.vector_load %arg13[%get3A_502, %get3A_503, %get3A_504] {strides = array<i32>} : memref<2x40x128xf32, #tpu.memory_space<vmem>>, vector<1x1x16xf32>,
      %get3A_506 = vector.shape_cast %get3A_505 : vector<1x1x16xf32> to vector<16xf32>
      %add3A_507 = arith.addf %get3A_500, %get3A_506 : vector<16xf32>
      %get3A_508 = arith.constant 0 : i32
      %get3A_509 = arith.index_cast %rem3A_243 : i32 to index
      %get3A_510 = arith.index_cast %get3A_508 : i32 to index
      %get3A_511 = arith.constant 80 : index
      %get3A_512 = tpu.vector_load %arg14[%get3A_509, %get3A_510, %get3A_511] {strides = array<i32>} : memref<2x40x128xf32, #tpu.memory_space<vmem>>, vector<1x1x16xf32>,
      %get3A_513 = vector.shape_cast %get3A_512 : vector<1x1x16xf32> to vector<16xf32>
      %add3A_514 = arith.addf %add3A_507, %get3A_513 : vector<16xf32>
      %neg3A_515 = arith.constant 0.000000e+00 : f32
      %neg3A_516 = vector.broadcast %neg3A_515 : f32 to vector<16xf32>
      %neg3A_517 = arith.subf %neg3A_516, %add3A_514 : vector<16xf32>
      %exp3A_518 = math.exp %neg3A_517 : vector<16xf32>
      %add3A_519 = arith.constant 1.000000e+00 : f32
      %add3A_520 = vector.broadcast %add3A_519 : f32 to vector<16xf32>
      %add3A_521 = arith.addf %add3A_520, %exp3A_518 : vector<16xf32>
      %div3A_522 = arith.divf %add3A_514, %add3A_521 : vector<16xf32>
      %mul3A_523 = arith.mulf %div3A_522, %get3A_145 : vector<16xf32>
      %get3A_524 = arith.constant 0 : i32
      %get3A_525 = arith.index_cast %rem3A_243 : i32 to index
      %get3A_526 = arith.index_cast %get3A_524 : i32 to index
      %get3A_527 = arith.constant 96 : index
      %get3A_528 = tpu.vector_load %arg12[%get3A_525, %get3A_526, %get3A_527] {strides = array<i32>} : memref<2x40x128xf32, #tpu.memory_space<vmem>>, vector<1x1x16xf32>,
      %get3A_529 = vector.shape_cast %get3A_528 : vector<1x1x16xf32> to vector<16xf32>
      %get3A_530 = arith.constant 0 : i32
      %get3A_531 = arith.index_cast %rem3A_243 : i32 to index
      %get3A_532 = arith.index_cast %get3A_530 : i32 to index
      %get3A_533 = arith.constant 96 : index
      %get3A_534 = tpu.vector_load %arg13[%get3A_531, %get3A_532, %get3A_533] {strides = array<i32>} : memref<2x40x128xf32, #tpu.memory_space<vmem>>, vector<1x1x16xf32>,
      %get3A_535 = vector.shape_cast %get3A_534 : vector<1x1x16xf32> to vector<16xf32>
      %add3A_536 = arith.addf %get3A_529, %get3A_535 : vector<16xf32>
      %get3A_537 = arith.constant 0 : i32
      %get3A_538 = arith.index_cast %rem3A_243 : i32 to index
      %get3A_539 = arith.index_cast %get3A_537 : i32 to index
      %get3A_540 = arith.constant 96 : index
      %get3A_541 = tpu.vector_load %arg14[%get3A_538, %get3A_539, %get3A_540] {strides = array<i32>} : memref<2x40x128xf32, #tpu.memory_space<vmem>>, vector<1x1x16xf32>,
      %get3A_542 = vector.shape_cast %get3A_541 : vector<1x1x16xf32> to vector<16xf32>
      %add3A_543 = arith.addf %add3A_536, %get3A_542 : vector<16xf32>
      %neg3A_544 = arith.constant 0.000000e+00 : f32
      %neg3A_545 = vector.broadcast %neg3A_544 : f32 to vector<16xf32>
      %neg3A_546 = arith.subf %neg3A_545, %add3A_543 : vector<16xf32>
      %exp3A_547 = math.exp %neg3A_546 : vector<16xf32>
      %add3A_548 = arith.constant 1.000000e+00 : f32
      %add3A_549 = vector.broadcast %add3A_548 : f32 to vector<16xf32>
      %add3A_550 = arith.addf %add3A_549, %exp3A_547 : vector<16xf32>
      %div3A_551 = arith.divf %add3A_543, %add3A_550 : vector<16xf32>
      %mul3A_552 = arith.mulf %div3A_551, %get3A_148 : vector<16xf32>
      %get3A_553 = arith.constant 0 : i32
      %get3A_554 = arith.index_cast %rem3A_243 : i32 to index
      %get3A_555 = arith.index_cast %get3A_553 : i32 to index
      %get3A_556 = arith.constant 112 : index
      %get3A_557 = tpu.vector_load %arg12[%get3A_554, %get3A_555, %get3A_556] {strides = array<i32>} : memref<2x40x128xf32, #tpu.memory_space<vmem>>, vector<1x1x16xf32>,
      %get3A_558 = vector.shape_cast %get3A_557 : vector<1x1x16xf32> to vector<16xf32>
      %get3A_559 = arith.constant 0 : i32
      %get3A_560 = arith.index_cast %rem3A_243 : i32 to index
      %get3A_561 = arith.index_cast %get3A_559 : i32 to index
      %get3A_562 = arith.constant 112 : index
      %get3A_563 = tpu.vector_load %arg13[%get3A_560, %get3A_561, %get3A_562] {strides = array<i32>} : memref<2x40x128xf32, #tpu.memory_space<vmem>>, vector<1x1x16xf32>,
      %get3A_564 = vector.shape_cast %get3A_563 : vector<1x1x16xf32> to vector<16xf32>
      %add3A_565 = arith.addf %get3A_558, %get3A_564 : vector<16xf32>
      %get3A_566 = arith.constant 0 : i32
      %get3A_567 = arith.index_cast %rem3A_243 : i32 to index
      %get3A_568 = arith.index_cast %get3A_566 : i32 to index
      %get3A_569 = arith.constant 112 : index
      %get3A_570 = tpu.vector_load %arg14[%get3A_567, %get3A_568, %get3A_569] {strides = array<i32>} : memref<2x40x128xf32, #tpu.memory_space<vmem>>, vector<1x1x16xf32>,
      %get3A_571 = vector.shape_cast %get3A_570 : vector<1x1x16xf32> to vector<16xf32>
      %add3A_572 = arith.addf %add3A_565, %get3A_571 : vector<16xf32>
      %neg3A_573 = arith.constant 0.000000e+00 : f32
      %neg3A_574 = vector.broadcast %neg3A_573 : f32 to vector<16xf32>
      %neg3A_575 = arith.subf %neg3A_574, %add3A_572 : vector<16xf32>
      %exp3A_576 = math.exp %neg3A_575 : vector<16xf32>
      %add3A_577 = arith.constant 1.000000e+00 : f32
      %add3A_578 = vector.broadcast %add3A_577 : f32 to vector<16xf32>
      %add3A_579 = arith.addf %add3A_578, %exp3A_576 : vector<16xf32>
      %div3A_580 = arith.divf %add3A_572, %add3A_579 : vector<16xf32>
      %mul3A_581 = arith.mulf %div3A_580, %get3A_151 : vector<16xf32>
      %add3A_582 = arith.addf %mul3A_378, %mul3A_407 : vector<16xf32>
      %add3A_583 = arith.addf %mul3A_436, %mul3A_465 : vector<16xf32>
      %add3A_584 = arith.addf %mul3A_494, %mul3A_523 : vector<16xf32>
      %add3A_585 = arith.addf %mul3A_552, %mul3A_581 : vector<16xf32>
      %add3A_586 = arith.addf %add3A_582, %add3A_583 : vector<16xf32>
      %add3A_587 = arith.addf %add3A_584, %add3A_585 : vector<16xf32>
      %add3A_588 = arith.addf %add3A_586, %add3A_587 : vector<16xf32>
      %scan3A_589 = arith.constant 1 : i32
      %scan3A_590 = arith.constant 39 : i32
      %scan3A_591 = arith.addi %scan3A_589, %scan3A_590 : i32
      %scan3A_592 = arith.constant 1 : i32
      %scan3A_593:9 = scf.for %scan3A_713 = %scan3A_589 to %scan3A_591 step %scan3A_592 iter_args(%scan3A_714 = %div3A, %scan3A_715 = %div3A_406, %scan3A_716 = %div3A_435, %scan3A_717 = %div3A_464, %scan3A_718 = %div3A_493, %scan3A_719 = %div3A_522, %scan3A_720 = %div3A_551, %scan3A_721 = %div3A_580, %scan3A_722 = %add3A_588) -> (vector<16xf32>, vector<16xf32>, vector<16xf32>, vector<16xf32>, vector<16xf32>, vector<16xf32>, vector<16xf32>, vector<16xf32>, vector<16xf32>)  : i32 {
        %get3A_723 = arith.index_cast %rem3A_243 : i32 to index
        %get3A_724 = arith.index_cast %scan3A_713 : i32 to index
        %get3A_725 = arith.constant 0 : index
        %get3A_726 = tpu.vector_load %arg12[%get3A_723, %get3A_724, %get3A_725] {strides = array<i32>} : memref<2x40x128xf32, #tpu.memory_space<vmem>>, vector<1x1x16xf32>,
        %get3A_727 = vector.shape_cast %get3A_726 : vector<1x1x16xf32> to vector<16xf32>
        %get3A_728 = arith.index_cast %rem3A_243 : i32 to index
        %get3A_729 = arith.index_cast %scan3A_713 : i32 to index
        %get3A_730 = arith.constant 0 : index
        %get3A_731 = tpu.vector_load %arg13[%get3A_728, %get3A_729, %get3A_730] {strides = array<i32>} : memref<2x40x128xf32, #tpu.memory_space<vmem>>, vector<1x1x16xf32>,
        %get3A_732 = vector.shape_cast %get3A_731 : vector<1x1x16xf32> to vector<16xf32>
        %add3A_733 = arith.addf %get3A_727, %get3A_732 : vector<16xf32>
        %get3A_734 = arith.index_cast %rem3A_243 : i32 to index
        %get3A_735 = arith.index_cast %scan3A_713 : i32 to index
        %get3A_736 = arith.constant 0 : index
        %get3A_737 = tpu.vector_load %arg14[%get3A_734, %get3A_735, %get3A_736] {strides = array<i32>} : memref<2x40x128xf32, #tpu.memory_space<vmem>>, vector<1x1x16xf32>,
        %get3A_738 = vector.shape_cast %get3A_737 : vector<1x1x16xf32> to vector<16xf32>
        %add3A_739 = arith.addf %add3A_733, %get3A_738 : vector<16xf32>
        %neg3A_740 = arith.constant 0.000000e+00 : f32
        %neg3A_741 = vector.broadcast %neg3A_740 : f32 to vector<16xf32>
        %neg3A_742 = arith.subf %neg3A_741, %add3A_739 : vector<16xf32>
        %exp3A_743 = math.exp %neg3A_742 : vector<16xf32>
        %add3A_744 = arith.constant 1.000000e+00 : f32
        %add3A_745 = vector.broadcast %add3A_744 : f32 to vector<16xf32>
        %add3A_746 = arith.addf %add3A_745, %exp3A_743 : vector<16xf32>
        %div3A_747 = arith.divf %add3A_739, %add3A_746 : vector<16xf32>
        %mul3A_748 = arith.mulf %div3A_747, %get3A_130 : vector<16xf32>
        %get3A_749 = arith.index_cast %rem3A_243 : i32 to index
        %get3A_750 = arith.index_cast %scan3A_713 : i32 to index
        %get3A_751 = arith.constant 16 : index
        %get3A_752 = tpu.vector_load %arg12[%get3A_749, %get3A_750, %get3A_751] {strides = array<i32>} : memref<2x40x128xf32, #tpu.memory_space<vmem>>, vector<1x1x16xf32>,
        %get3A_753 = vector.shape_cast %get3A_752 : vector<1x1x16xf32> to vector<16xf32>
        %get3A_754 = arith.index_cast %rem3A_243 : i32 to index
        %get3A_755 = arith.index_cast %scan3A_713 : i32 to index
        %get3A_756 = arith.constant 16 : index
        %get3A_757 = tpu.vector_load %arg13[%get3A_754, %get3A_755, %get3A_756] {strides = array<i32>} : memref<2x40x128xf32, #tpu.memory_space<vmem>>, vector<1x1x16xf32>,
        %get3A_758 = vector.shape_cast %get3A_757 : vector<1x1x16xf32> to vector<16xf32>
        %add3A_759 = arith.addf %get3A_753, %get3A_758 : vector<16xf32>
        %get3A_760 = arith.index_cast %rem3A_243 : i32 to index
        %get3A_761 = arith.index_cast %scan3A_713 : i32 to index
        %get3A_762 = arith.constant 16 : index
        %get3A_763 = tpu.vector_load %arg14[%get3A_760, %get3A_761, %get3A_762] {strides = array<i32>} : memref<2x40x128xf32, #tpu.memory_space<vmem>>, vector<1x1x16xf32>,
        %get3A_764 = vector.shape_cast %get3A_763 : vector<1x1x16xf32> to vector<16xf32>
        %add3A_765 = arith.addf %add3A_759, %get3A_764 : vector<16xf32>
        %neg3A_766 = arith.constant 0.000000e+00 : f32
        %neg3A_767 = vector.broadcast %neg3A_766 : f32 to vector<16xf32>
        %neg3A_768 = arith.subf %neg3A_767, %add3A_765 : vector<16xf32>
        %exp3A_769 = math.exp %neg3A_768 : vector<16xf32>
        %add3A_770 = arith.constant 1.000000e+00 : f32
        %add3A_771 = vector.broadcast %add3A_770 : f32 to vector<16xf32>
        %add3A_772 = arith.addf %add3A_771, %exp3A_769 : vector<16xf32>
        %div3A_773 = arith.divf %add3A_765, %add3A_772 : vector<16xf32>
        %mul3A_774 = arith.mulf %div3A_773, %get3A_133 : vector<16xf32>
        %get3A_775 = arith.index_cast %rem3A_243 : i32 to index
        %get3A_776 = arith.index_cast %scan3A_713 : i32 to index
        %get3A_777 = arith.constant 32 : index
        %get3A_778 = tpu.vector_load %arg12[%get3A_775, %get3A_776, %get3A_777] {strides = array<i32>} : memref<2x40x128xf32, #tpu.memory_space<vmem>>, vector<1x1x16xf32>,
        %get3A_779 = vector.shape_cast %get3A_778 : vector<1x1x16xf32> to vector<16xf32>
        %get3A_780 = arith.index_cast %rem3A_243 : i32 to index
        %get3A_781 = arith.index_cast %scan3A_713 : i32 to index
        %get3A_782 = arith.constant 32 : index
        %get3A_783 = tpu.vector_load %arg13[%get3A_780, %get3A_781, %get3A_782] {strides = array<i32>} : memref<2x40x128xf32, #tpu.memory_space<vmem>>, vector<1x1x16xf32>,
        %get3A_784 = vector.shape_cast %get3A_783 : vector<1x1x16xf32> to vector<16xf32>
        %add3A_785 = arith.addf %get3A_779, %get3A_784 : vector<16xf32>
        %get3A_786 = arith.index_cast %rem3A_243 : i32 to index
        %get3A_787 = arith.index_cast %scan3A_713 : i32 to index
        %get3A_788 = arith.constant 32 : index
        %get3A_789 = tpu.vector_load %arg14[%get3A_786, %get3A_787, %get3A_788] {strides = array<i32>} : memref<2x40x128xf32, #tpu.memory_space<vmem>>, vector<1x1x16xf32>,
        %get3A_790 = vector.shape_cast %get3A_789 : vector<1x1x16xf32> to vector<16xf32>
        %add3A_791 = arith.addf %add3A_785, %get3A_790 : vector<16xf32>
        %neg3A_792 = arith.constant 0.000000e+00 : f32
        %neg3A_793 = vector.broadcast %neg3A_792 : f32 to vector<16xf32>
        %neg3A_794 = arith.subf %neg3A_793, %add3A_791 : vector<16xf32>
        %exp3A_795 = math.exp %neg3A_794 : vector<16xf32>
        %add3A_796 = arith.constant 1.000000e+00 : f32
        %add3A_797 = vector.broadcast %add3A_796 : f32 to vector<16xf32>
        %add3A_798 = arith.addf %add3A_797, %exp3A_795 : vector<16xf32>
        %div3A_799 = arith.divf %add3A_791, %add3A_798 : vector<16xf32>
        %mul3A_800 = arith.mulf %div3A_799, %get3A_136 : vector<16xf32>
        %get3A_801 = arith.index_cast %rem3A_243 : i32 to index
        %get3A_802 = arith.index_cast %scan3A_713 : i32 to index
        %get3A_803 = arith.constant 48 : index
        %get3A_804 = tpu.vector_load %arg12[%get3A_801, %get3A_802, %get3A_803] {strides = array<i32>} : memref<2x40x128xf32, #tpu.memory_space<vmem>>, vector<1x1x16xf32>,
        %get3A_805 = vector.shape_cast %get3A_804 : vector<1x1x16xf32> to vector<16xf32>
        %get3A_806 = arith.index_cast %rem3A_243 : i32 to index
        %get3A_807 = arith.index_cast %scan3A_713 : i32 to index
        %get3A_808 = arith.constant 48 : index
        %get3A_809 = tpu.vector_load %arg13[%get3A_806, %get3A_807, %get3A_808] {strides = array<i32>} : memref<2x40x128xf32, #tpu.memory_space<vmem>>, vector<1x1x16xf32>,
        %get3A_810 = vector.shape_cast %get3A_809 : vector<1x1x16xf32> to vector<16xf32>
        %add3A_811 = arith.addf %get3A_805, %get3A_810 : vector<16xf32>
        %get3A_812 = arith.index_cast %rem3A_243 : i32 to index
        %get3A_813 = arith.index_cast %scan3A_713 : i32 to index
        %get3A_814 = arith.constant 48 : index
        %get3A_815 = tpu.vector_load %arg14[%get3A_812, %get3A_813, %get3A_814] {strides = array<i32>} : memref<2x40x128xf32, #tpu.memory_space<vmem>>, vector<1x1x16xf32>,
        %get3A_816 = vector.shape_cast %get3A_815 : vector<1x1x16xf32> to vector<16xf32>
        %add3A_817 = arith.addf %add3A_811, %get3A_816 : vector<16xf32>
        %neg3A_818 = arith.constant 0.000000e+00 : f32
        %neg3A_819 = vector.broadcast %neg3A_818 : f32 to vector<16xf32>
        %neg3A_820 = arith.subf %neg3A_819, %add3A_817 : vector<16xf32>
        %exp3A_821 = math.exp %neg3A_820 : vector<16xf32>
        %add3A_822 = arith.constant 1.000000e+00 : f32
        %add3A_823 = vector.broadcast %add3A_822 : f32 to vector<16xf32>
        %add3A_824 = arith.addf %add3A_823, %exp3A_821 : vector<16xf32>
        %div3A_825 = arith.divf %add3A_817, %add3A_824 : vector<16xf32>
        %mul3A_826 = arith.mulf %div3A_825, %get3A_139 : vector<16xf32>
        %get3A_827 = arith.index_cast %rem3A_243 : i32 to index
        %get3A_828 = arith.index_cast %scan3A_713 : i32 to index
        %get3A_829 = arith.constant 64 : index
        %get3A_830 = tpu.vector_load %arg12[%get3A_827, %get3A_828, %get3A_829] {strides = array<i32>} : memref<2x40x128xf32, #tpu.memory_space<vmem>>, vector<1x1x16xf32>,
        %get3A_831 = vector.shape_cast %get3A_830 : vector<1x1x16xf32> to vector<16xf32>
        %get3A_832 = arith.index_cast %rem3A_243 : i32 to index
        %get3A_833 = arith.index_cast %scan3A_713 : i32 to index
        %get3A_834 = arith.constant 64 : index
        %get3A_835 = tpu.vector_load %arg13[%get3A_832, %get3A_833, %get3A_834] {strides = array<i32>} : memref<2x40x128xf32, #tpu.memory_space<vmem>>, vector<1x1x16xf32>,
        %get3A_836 = vector.shape_cast %get3A_835 : vector<1x1x16xf32> to vector<16xf32>
        %add3A_837 = arith.addf %get3A_831, %get3A_836 : vector<16xf32>
        %get3A_838 = arith.index_cast %rem3A_243 : i32 to index
        %get3A_839 = arith.index_cast %scan3A_713 : i32 to index
        %get3A_840 = arith.constant 64 : index
        %get3A_841 = tpu.vector_load %arg14[%get3A_838, %get3A_839, %get3A_840] {strides = array<i32>} : memref<2x40x128xf32, #tpu.memory_space<vmem>>, vector<1x1x16xf32>,
        %get3A_842 = vector.shape_cast %get3A_841 : vector<1x1x16xf32> to vector<16xf32>
        %add3A_843 = arith.addf %add3A_837, %get3A_842 : vector<16xf32>
        %neg3A_844 = arith.constant 0.000000e+00 : f32
        %neg3A_845 = vector.broadcast %neg3A_844 : f32 to vector<16xf32>
        %neg3A_846 = arith.subf %neg3A_845, %add3A_843 : vector<16xf32>
        %exp3A_847 = math.exp %neg3A_846 : vector<16xf32>
        %add3A_848 = arith.constant 1.000000e+00 : f32
        %add3A_849 = vector.broadcast %add3A_848 : f32 to vector<16xf32>
        %add3A_850 = arith.addf %add3A_849, %exp3A_847 : vector<16xf32>
        %div3A_851 = arith.divf %add3A_843, %add3A_850 : vector<16xf32>
        %mul3A_852 = arith.mulf %div3A_851, %get3A_142 : vector<16xf32>
        %get3A_853 = arith.index_cast %rem3A_243 : i32 to index
        %get3A_854 = arith.index_cast %scan3A_713 : i32 to index
        %get3A_855 = arith.constant 80 : index
        %get3A_856 = tpu.vector_load %arg12[%get3A_853, %get3A_854, %get3A_855] {strides = array<i32>} : memref<2x40x128xf32, #tpu.memory_space<vmem>>, vector<1x1x16xf32>,
        %get3A_857 = vector.shape_cast %get3A_856 : vector<1x1x16xf32> to vector<16xf32>
        %get3A_858 = arith.index_cast %rem3A_243 : i32 to index
        %get3A_859 = arith.index_cast %scan3A_713 : i32 to index
        %get3A_860 = arith.constant 80 : index
        %get3A_861 = tpu.vector_load %arg13[%get3A_858, %get3A_859, %get3A_860] {strides = array<i32>} : memref<2x40x128xf32, #tpu.memory_space<vmem>>, vector<1x1x16xf32>,
        %get3A_862 = vector.shape_cast %get3A_861 : vector<1x1x16xf32> to vector<16xf32>
        %add3A_863 = arith.addf %get3A_857, %get3A_862 : vector<16xf32>
        %get3A_864 = arith.index_cast %rem3A_243 : i32 to index
        %get3A_865 = arith.index_cast %scan3A_713 : i32 to index
        %get3A_866 = arith.constant 80 : index
        %get3A_867 = tpu.vector_load %arg14[%get3A_864, %get3A_865, %get3A_866] {strides = array<i32>} : memref<2x40x128xf32, #tpu.memory_space<vmem>>, vector<1x1x16xf32>,
        %get3A_868 = vector.shape_cast %get3A_867 : vector<1x1x16xf32> to vector<16xf32>
        %add3A_869 = arith.addf %add3A_863, %get3A_868 : vector<16xf32>
        %neg3A_870 = arith.constant 0.000000e+00 : f32
        %neg3A_871 = vector.broadcast %neg3A_870 : f32 to vector<16xf32>
        %neg3A_872 = arith.subf %neg3A_871, %add3A_869 : vector<16xf32>
        %exp3A_873 = math.exp %neg3A_872 : vector<16xf32>
        %add3A_874 = arith.constant 1.000000e+00 : f32
        %add3A_875 = vector.broadcast %add3A_874 : f32 to vector<16xf32>
        %add3A_876 = arith.addf %add3A_875, %exp3A_873 : vector<16xf32>
        %div3A_877 = arith.divf %add3A_869, %add3A_876 : vector<16xf32>
        %mul3A_878 = arith.mulf %div3A_877, %get3A_145 : vector<16xf32>
        %get3A_879 = arith.index_cast %rem3A_243 : i32 to index
        %get3A_880 = arith.index_cast %scan3A_713 : i32 to index
        %get3A_881 = arith.constant 96 : index
        %get3A_882 = tpu.vector_load %arg12[%get3A_879, %get3A_880, %get3A_881] {strides = array<i32>} : memref<2x40x128xf32, #tpu.memory_space<vmem>>, vector<1x1x16xf32>,
        %get3A_883 = vector.shape_cast %get3A_882 : vector<1x1x16xf32> to vector<16xf32>
        %get3A_884 = arith.index_cast %rem3A_243 : i32 to index
        %get3A_885 = arith.index_cast %scan3A_713 : i32 to index
        %get3A_886 = arith.constant 96 : index
        %get3A_887 = tpu.vector_load %arg13[%get3A_884, %get3A_885, %get3A_886] {strides = array<i32>} : memref<2x40x128xf32, #tpu.memory_space<vmem>>, vector<1x1x16xf32>,
        %get3A_888 = vector.shape_cast %get3A_887 : vector<1x1x16xf32> to vector<16xf32>
        %add3A_889 = arith.addf %get3A_883, %get3A_888 : vector<16xf32>
        %get3A_890 = arith.index_cast %rem3A_243 : i32 to index
        %get3A_891 = arith.index_cast %scan3A_713 : i32 to index
        %get3A_892 = arith.constant 96 : index
        %get3A_893 = tpu.vector_load %arg14[%get3A_890, %get3A_891, %get3A_892] {strides = array<i32>} : memref<2x40x128xf32, #tpu.memory_space<vmem>>, vector<1x1x16xf32>,
        %get3A_894 = vector.shape_cast %get3A_893 : vector<1x1x16xf32> to vector<16xf32>
        %add3A_895 = arith.addf %add3A_889, %get3A_894 : vector<16xf32>
        %neg3A_896 = arith.constant 0.000000e+00 : f32
        %neg3A_897 = vector.broadcast %neg3A_896 : f32 to vector<16xf32>
        %neg3A_898 = arith.subf %neg3A_897, %add3A_895 : vector<16xf32>
        %exp3A_899 = math.exp %neg3A_898 : vector<16xf32>
        %add3A_900 = arith.constant 1.000000e+00 : f32
        %add3A_901 = vector.broadcast %add3A_900 : f32 to vector<16xf32>
        %add3A_902 = arith.addf %add3A_901, %exp3A_899 : vector<16xf32>
        %div3A_903 = arith.divf %add3A_895, %add3A_902 : vector<16xf32>
        %mul3A_904 = arith.mulf %div3A_903, %get3A_148 : vector<16xf32>
        %get3A_905 = arith.index_cast %rem3A_243 : i32 to index
        %get3A_906 = arith.index_cast %scan3A_713 : i32 to index
        %get3A_907 = arith.constant 112 : index
        %get3A_908 = tpu.vector_load %arg12[%get3A_905, %get3A_906, %get3A_907] {strides = array<i32>} : memref<2x40x128xf32, #tpu.memory_space<vmem>>, vector<1x1x16xf32>,
        %get3A_909 = vector.shape_cast %get3A_908 : vector<1x1x16xf32> to vector<16xf32>
        %get3A_910 = arith.index_cast %rem3A_243 : i32 to index
        %get3A_911 = arith.index_cast %scan3A_713 : i32 to index
        %get3A_912 = arith.constant 112 : index
        %get3A_913 = tpu.vector_load %arg13[%get3A_910, %get3A_911, %get3A_912] {strides = array<i32>} : memref<2x40x128xf32, #tpu.memory_space<vmem>>, vector<1x1x16xf32>,
        %get3A_914 = vector.shape_cast %get3A_913 : vector<1x1x16xf32> to vector<16xf32>
        %add3A_915 = arith.addf %get3A_909, %get3A_914 : vector<16xf32>
        %get3A_916 = arith.index_cast %rem3A_243 : i32 to index
        %get3A_917 = arith.index_cast %scan3A_713 : i32 to index
        %get3A_918 = arith.constant 112 : index
        %get3A_919 = tpu.vector_load %arg14[%get3A_916, %get3A_917, %get3A_918] {strides = array<i32>} : memref<2x40x128xf32, #tpu.memory_space<vmem>>, vector<1x1x16xf32>,
        %get3A_920 = vector.shape_cast %get3A_919 : vector<1x1x16xf32> to vector<16xf32>
        %add3A_921 = arith.addf %add3A_915, %get3A_920 : vector<16xf32>
        %neg3A_922 = arith.constant 0.000000e+00 : f32
        %neg3A_923 = vector.broadcast %neg3A_922 : f32 to vector<16xf32>
        %neg3A_924 = arith.subf %neg3A_923, %add3A_921 : vector<16xf32>
        %exp3A_925 = math.exp %neg3A_924 : vector<16xf32>
        %add3A_926 = arith.constant 1.000000e+00 : f32
        %add3A_927 = vector.broadcast %add3A_926 : f32 to vector<16xf32>
        %add3A_928 = arith.addf %add3A_927, %exp3A_925 : vector<16xf32>
        %div3A_929 = arith.divf %add3A_921, %add3A_928 : vector<16xf32>
        %mul3A_930 = arith.mulf %div3A_929, %get3A_151 : vector<16xf32>
        %add3A_931 = arith.addf %mul3A_748, %mul3A_774 : vector<16xf32>
        %add3A_932 = arith.addf %mul3A_800, %mul3A_826 : vector<16xf32>
        %add3A_933 = arith.addf %mul3A_852, %mul3A_878 : vector<16xf32>
        %add3A_934 = arith.addf %mul3A_904, %mul3A_930 : vector<16xf32>
        %add3A_935 = arith.addf %add3A_931, %add3A_932 : vector<16xf32>
        %add3A_936 = arith.addf %add3A_933, %add3A_934 : vector<16xf32>
        %add3A_937 = arith.addf %add3A_935, %add3A_936 : vector<16xf32>
        %sub3A_938 = arith.constant 1 : i32
        %sub3A_939 = arith.subi %scan3A_713, %sub3A_938 : i32
        %iota3A_940 = tpu.iota {dimensions = array<i32: 0>} : vector<16xi32>
        %xor3A_941 = arith.constant 8 : i32
        %xor3A_942 = vector.broadcast %xor3A_941 : i32 to vector<16xi32>
        %xor3A_943 = arith.xori %iota3A_940, %xor3A_942 : vector<16xi32>
        %broadcast_in_dim3A_944 = vector.shape_cast %xor3A_943 : vector<16xi32> to vector<16x1xi32>
        %gather3A_945 = vector.shape_cast %broadcast_in_dim3A_944 : vector<16x1xi32> to vector<16xi32>
        %gather3A_946 = tpu.dynamic_gather %scan3A_722[%gather3A_945] in [0] : vector<16xf32>, vector<16xi32> -> vector<16xf32>
        %add3A_947 = arith.addf %scan3A_722, %gather3A_946 : vector<16xf32>
        %xor3A_948 = arith.constant 4 : i32
        %xor3A_949 = vector.broadcast %xor3A_948 : i32 to vector<16xi32>
        %xor3A_950 = arith.xori %iota3A_940, %xor3A_949 : vector<16xi32>
        %broadcast_in_dim3A_951 = vector.shape_cast %xor3A_950 : vector<16xi32> to vector<16x1xi32>
        %gather3A_952 = vector.shape_cast %broadcast_in_dim3A_951 : vector<16x1xi32> to vector<16xi32>
        %gather3A_953 = tpu.dynamic_gather %add3A_947[%gather3A_952] in [0] : vector<16xf32>, vector<16xi32> -> vector<16xf32>
        %add3A_954 = arith.addf %add3A_947, %gather3A_953 : vector<16xf32>
        %xor3A_955 = arith.constant 2 : i32
        %xor3A_956 = vector.broadcast %xor3A_955 : i32 to vector<16xi32>
        %xor3A_957 = arith.xori %iota3A_940, %xor3A_956 : vector<16xi32>
        %broadcast_in_dim3A_958 = vector.shape_cast %xor3A_957 : vector<16xi32> to vector<16x1xi32>
        %gather3A_959 = vector.shape_cast %broadcast_in_dim3A_958 : vector<16x1xi32> to vector<16xi32>
        %gather3A_960 = tpu.dynamic_gather %add3A_954[%gather3A_959] in [0] : vector<16xf32>, vector<16xi32> -> vector<16xf32>
        %add3A_961 = arith.addf %add3A_954, %gather3A_960 : vector<16xf32>
        %xor3A_962 = arith.constant 1 : i32
        %xor3A_963 = vector.broadcast %xor3A_962 : i32 to vector<16xi32>
        %xor3A_964 = arith.xori %iota3A_940, %xor3A_963 : vector<16xi32>
        %broadcast_in_dim3A_965 = vector.shape_cast %xor3A_964 : vector<16xi32> to vector<16x1xi32>
        %gather3A_966 = vector.shape_cast %broadcast_in_dim3A_965 : vector<16x1xi32> to vector<16xi32>
        %gather3A_967 = tpu.dynamic_gather %add3A_961[%gather3A_966] in [0] : vector<16xf32>, vector<16xi32> -> vector<16xf32>
        %add3A_968 = arith.addf %add3A_961, %gather3A_967 : vector<16xf32>
        %add3A_969 = arith.addf %add3A_968, %get3A_154 : vector<16xf32>
        %neg3A_970 = arith.constant 0.000000e+00 : f32
        %neg3A_971 = vector.broadcast %neg3A_970 : f32 to vector<16xf32>
        %neg3A_972 = arith.subf %neg3A_971, %add3A_969 : vector<16xf32>
        %exp3A_973 = math.exp %neg3A_972 : vector<16xf32>
        %add3A_974 = arith.constant 1.000000e+00 : f32
        %add3A_975 = vector.broadcast %add3A_974 : f32 to vector<16xf32>
        %add3A_976 = arith.addf %add3A_975, %exp3A_973 : vector<16xf32>
        %div3A_977 = arith.constant 1.000000e+00 : f32
        %div3A_978 = vector.broadcast %div3A_977 : f32 to vector<16xf32>
        %div3A_979 = arith.divf %div3A_978, %add3A_976 : vector<16xf32>
        %mul3A_980 = arith.mulf %scan3A_714, %div3A_979 : vector<16xf32>
        %swap3A_981 = arith.index_cast %sub3A_939 : i32 to index
        %swap3A_982 = arith.constant 0 : index
        %swap3A_983 = tpu.vector_load %arg15[%swap3A_981, %swap3A_982] {strides = array<i32>} : memref<40x128xf32, #tpu.memory_space<vmem>>, vector<1x16xf32>,
        %swap3A_984 = vector.shape_cast %swap3A_983 : vector<1x16xf32> to vector<16xf32>
        %swap3A_985 = vector.shape_cast %mul3A_980 : vector<16xf32> to vector<1x16xf32>
        tpu.vector_store %arg15[%swap3A_981, %swap3A_982], %swap3A_985 {strides = array<i32>} : memref<40x128xf32, #tpu.memory_space<vmem>>, vector<1x16xf32>,
        %mul3A_986 = arith.mulf %scan3A_715, %div3A_979 : vector<16xf32>
        %swap3A_987 = arith.index_cast %sub3A_939 : i32 to index
        %swap3A_988 = arith.constant 16 : index
        %swap3A_989 = tpu.vector_load %arg15[%swap3A_987, %swap3A_988] {strides = array<i32>} : memref<40x128xf32, #tpu.memory_space<vmem>>, vector<1x16xf32>,
        %swap3A_990 = vector.shape_cast %swap3A_989 : vector<1x16xf32> to vector<16xf32>
        %swap3A_991 = vector.shape_cast %mul3A_986 : vector<16xf32> to vector<1x16xf32>
        tpu.vector_store %arg15[%swap3A_987, %swap3A_988], %swap3A_991 {strides = array<i32>} : memref<40x128xf32, #tpu.memory_space<vmem>>, vector<1x16xf32>,
        %mul3A_992 = arith.mulf %scan3A_716, %div3A_979 : vector<16xf32>
        %swap3A_993 = arith.index_cast %sub3A_939 : i32 to index
        %swap3A_994 = arith.constant 32 : index
        %swap3A_995 = tpu.vector_load %arg15[%swap3A_993, %swap3A_994] {strides = array<i32>} : memref<40x128xf32, #tpu.memory_space<vmem>>, vector<1x16xf32>,
        %swap3A_996 = vector.shape_cast %swap3A_995 : vector<1x16xf32> to vector<16xf32>
        %swap3A_997 = vector.shape_cast %mul3A_992 : vector<16xf32> to vector<1x16xf32>
        tpu.vector_store %arg15[%swap3A_993, %swap3A_994], %swap3A_997 {strides = array<i32>} : memref<40x128xf32, #tpu.memory_space<vmem>>, vector<1x16xf32>,
        %mul3A_998 = arith.mulf %scan3A_717, %div3A_979 : vector<16xf32>
        %swap3A_999 = arith.index_cast %sub3A_939 : i32 to index
        %swap3A_1000 = arith.constant 48 : index
        %swap3A_1001 = tpu.vector_load %arg15[%swap3A_999, %swap3A_1000] {strides = array<i32>} : memref<40x128xf32, #tpu.memory_space<vmem>>, vector<1x16xf32>,
        %swap3A_1002 = vector.shape_cast %swap3A_1001 : vector<1x16xf32> to vector<16xf32>
        %swap3A_1003 = vector.shape_cast %mul3A_998 : vector<16xf32> to vector<1x16xf32>
        tpu.vector_store %arg15[%swap3A_999, %swap3A_1000], %swap3A_1003 {strides = array<i32>} : memref<40x128xf32, #tpu.memory_space<vmem>>, vector<1x16xf32>,
        %mul3A_1004 = arith.mulf %scan3A_718, %div3A_979 : vector<16xf32>
        %swap3A_1005 = arith.index_cast %sub3A_939 : i32 to index
        %swap3A_1006 = arith.constant 64 : index
        %swap3A_1007 = tpu.vector_load %arg15[%swap3A_1005, %swap3A_1006] {strides = array<i32>} : memref<40x128xf32, #tpu.memory_space<vmem>>, vector<1x16xf32>,
        %swap3A_1008 = vector.shape_cast %swap3A_1007 : vector<1x16xf32> to vector<16xf32>
        %swap3A_1009 = vector.shape_cast %mul3A_1004 : vector<16xf32> to vector<1x16xf32>
        tpu.vector_store %arg15[%swap3A_1005, %swap3A_1006], %swap3A_1009 {strides = array<i32>} : memref<40x128xf32, #tpu.memory_space<vmem>>, vector<1x16xf32>,
        %mul3A_1010 = arith.mulf %scan3A_719, %div3A_979 : vector<16xf32>
        %swap3A_1011 = arith.index_cast %sub3A_939 : i32 to index
        %swap3A_1012 = arith.constant 80 : index
        %swap3A_1013 = tpu.vector_load %arg15[%swap3A_1011, %swap3A_1012] {strides = array<i32>} : memref<40x128xf32, #tpu.memory_space<vmem>>, vector<1x16xf32>,
        %swap3A_1014 = vector.shape_cast %swap3A_1013 : vector<1x16xf32> to vector<16xf32>
        %swap3A_1015 = vector.shape_cast %mul3A_1010 : vector<16xf32> to vector<1x16xf32>
        tpu.vector_store %arg15[%swap3A_1011, %swap3A_1012], %swap3A_1015 {strides = array<i32>} : memref<40x128xf32, #tpu.memory_space<vmem>>, vector<1x16xf32>,
        %mul3A_1016 = arith.mulf %scan3A_720, %div3A_979 : vector<16xf32>
        %swap3A_1017 = arith.index_cast %sub3A_939 : i32 to index
        %swap3A_1018 = arith.constant 96 : index
        %swap3A_1019 = tpu.vector_load %arg15[%swap3A_1017, %swap3A_1018] {strides = array<i32>} : memref<40x128xf32, #tpu.memory_space<vmem>>, vector<1x16xf32>,
        %swap3A_1020 = vector.shape_cast %swap3A_1019 : vector<1x16xf32> to vector<16xf32>
        %swap3A_1021 = vector.shape_cast %mul3A_1016 : vector<16xf32> to vector<1x16xf32>
        tpu.vector_store %arg15[%swap3A_1017, %swap3A_1018], %swap3A_1021 {strides = array<i32>} : memref<40x128xf32, #tpu.memory_space<vmem>>, vector<1x16xf32>,
        %mul3A_1022 = arith.mulf %scan3A_721, %div3A_979 : vector<16xf32>
        %swap3A_1023 = arith.index_cast %sub3A_939 : i32 to index
        %swap3A_1024 = arith.constant 112 : index
        %swap3A_1025 = tpu.vector_load %arg15[%swap3A_1023, %swap3A_1024] {strides = array<i32>} : memref<40x128xf32, #tpu.memory_space<vmem>>, vector<1x16xf32>,
        %swap3A_1026 = vector.shape_cast %swap3A_1025 : vector<1x16xf32> to vector<16xf32>
        %swap3A_1027 = vector.shape_cast %mul3A_1022 : vector<16xf32> to vector<1x16xf32>
        tpu.vector_store %arg15[%swap3A_1023, %swap3A_1024], %swap3A_1027 {strides = array<i32>} : memref<40x128xf32, #tpu.memory_space<vmem>>, vector<1x16xf32>,
        scf.yield %div3A_747, %div3A_773, %div3A_799, %div3A_825, %div3A_851, %div3A_877, %div3A_903, %div3A_929, %add3A_937 : vector<16xf32>, vector<16xf32>, vector<16xf32>, vector<16xf32>, vector<16xf32>, vector<16xf32>, vector<16xf32>, vector<16xf32>, vector<16xf32>
      }
      %scan3A_594 = arith.constant 39 : i32
      %iota3A = tpu.iota {dimensions = array<i32: 0>} : vector<16xi32>
      %xor3A = arith.constant 8 : i32
      %xor3A_595 = vector.broadcast %xor3A : i32 to vector<16xi32>
      %xor3A_596 = arith.xori %iota3A, %xor3A_595 : vector<16xi32>
      %broadcast_in_dim3A = vector.shape_cast %xor3A_596 : vector<16xi32> to vector<16x1xi32>
      %gather3A = vector.shape_cast %broadcast_in_dim3A : vector<16x1xi32> to vector<16xi32>
      %gather3A_597 = tpu.dynamic_gather %scan3A_593#8[%gather3A] in [0] : vector<16xf32>, vector<16xi32> -> vector<16xf32>
      %add3A_598 = arith.addf %scan3A_593#8, %gather3A_597 : vector<16xf32>
      %xor3A_599 = arith.constant 4 : i32
      %xor3A_600 = vector.broadcast %xor3A_599 : i32 to vector<16xi32>
      %xor3A_601 = arith.xori %iota3A, %xor3A_600 : vector<16xi32>
      %broadcast_in_dim3A_602 = vector.shape_cast %xor3A_601 : vector<16xi32> to vector<16x1xi32>
      %gather3A_603 = vector.shape_cast %broadcast_in_dim3A_602 : vector<16x1xi32> to vector<16xi32>
      %gather3A_604 = tpu.dynamic_gather %add3A_598[%gather3A_603] in [0] : vector<16xf32>, vector<16xi32> -> vector<16xf32>
      %add3A_605 = arith.addf %add3A_598, %gather3A_604 : vector<16xf32>
      %xor3A_606 = arith.constant 2 : i32
      %xor3A_607 = vector.broadcast %xor3A_606 : i32 to vector<16xi32>
      %xor3A_608 = arith.xori %iota3A, %xor3A_607 : vector<16xi32>
      %broadcast_in_dim3A_609 = vector.shape_cast %xor3A_608 : vector<16xi32> to vector<16x1xi32>
      %gather3A_610 = vector.shape_cast %broadcast_in_dim3A_609 : vector<16x1xi32> to vector<16xi32>
      %gather3A_611 = tpu.dynamic_gather %add3A_605[%gather3A_610] in [0] : vector<16xf32>, vector<16xi32> -> vector<16xf32>
      %add3A_612 = arith.addf %add3A_605, %gather3A_611 : vector<16xf32>
      %xor3A_613 = arith.constant 1 : i32
      %xor3A_614 = vector.broadcast %xor3A_613 : i32 to vector<16xi32>
      %xor3A_615 = arith.xori %iota3A, %xor3A_614 : vector<16xi32>
      %broadcast_in_dim3A_616 = vector.shape_cast %xor3A_615 : vector<16xi32> to vector<16x1xi32>
      %gather3A_617 = vector.shape_cast %broadcast_in_dim3A_616 : vector<16x1xi32> to vector<16xi32>
      %gather3A_618 = tpu.dynamic_gather %add3A_612[%gather3A_617] in [0] : vector<16xf32>, vector<16xi32> -> vector<16xf32>
      %add3A_619 = arith.addf %add3A_612, %gather3A_618 : vector<16xf32>
      %add3A_620 = arith.addf %add3A_619, %get3A_154 : vector<16xf32>
      %neg3A_621 = arith.constant 0.000000e+00 : f32
      %neg3A_622 = vector.broadcast %neg3A_621 : f32 to vector<16xf32>
      %neg3A_623 = arith.subf %neg3A_622, %add3A_620 : vector<16xf32>
      %exp3A_624 = math.exp %neg3A_623 : vector<16xf32>
      %add3A_625 = arith.constant 1.000000e+00 : f32
      %add3A_626 = vector.broadcast %add3A_625 : f32 to vector<16xf32>
      %add3A_627 = arith.addf %add3A_626, %exp3A_624 : vector<16xf32>
      %div3A_628 = arith.constant 1.000000e+00 : f32
      %div3A_629 = vector.broadcast %div3A_628 : f32 to vector<16xf32>
      %div3A_630 = arith.divf %div3A_629, %add3A_627 : vector<16xf32>
      %mul3A_631 = arith.mulf %scan3A_593#0, %div3A_630 : vector<16xf32>
      %swap3A = arith.constant 39 : i32
      %swap3A_632 = arith.index_cast %swap3A : i32 to index
      %swap3A_633 = arith.constant 0 : index
      %swap3A_634 = tpu.vector_load %arg15[%swap3A_632, %swap3A_633] {strides = array<i32>} : memref<40x128xf32, #tpu.memory_space<vmem>>, vector<1x16xf32>,
      %swap3A_635 = vector.shape_cast %swap3A_634 : vector<1x16xf32> to vector<16xf32>
      %swap3A_636 = vector.shape_cast %mul3A_631 : vector<16xf32> to vector<1x16xf32>
      tpu.vector_store %arg15[%swap3A_632, %swap3A_633], %swap3A_636 {strides = array<i32>} : memref<40x128xf32, #tpu.memory_space<vmem>>, vector<1x16xf32>,
      %mul3A_637 = arith.mulf %scan3A_593#1, %div3A_630 : vector<16xf32>
      %swap3A_638 = arith.constant 39 : i32
      %swap3A_639 = arith.index_cast %swap3A_638 : i32 to index
      %swap3A_640 = arith.constant 16 : index
      %swap3A_641 = tpu.vector_load %arg15[%swap3A_639, %swap3A_640] {strides = array<i32>} : memref<40x128xf32, #tpu.memory_space<vmem>>, vector<1x16xf32>,
      %swap3A_642 = vector.shape_cast %swap3A_641 : vector<1x16xf32> to vector<16xf32>
      %swap3A_643 = vector.shape_cast %mul3A_637 : vector<16xf32> to vector<1x16xf32>
      tpu.vector_store %arg15[%swap3A_639, %swap3A_640], %swap3A_643 {strides = array<i32>} : memref<40x128xf32, #tpu.memory_space<vmem>>, vector<1x16xf32>,
      %mul3A_644 = arith.mulf %scan3A_593#2, %div3A_630 : vector<16xf32>
      %swap3A_645 = arith.constant 39 : i32
      %swap3A_646 = arith.index_cast %swap3A_645 : i32 to index
      %swap3A_647 = arith.constant 32 : index
      %swap3A_648 = tpu.vector_load %arg15[%swap3A_646, %swap3A_647] {strides = array<i32>} : memref<40x128xf32, #tpu.memory_space<vmem>>, vector<1x16xf32>,
      %swap3A_649 = vector.shape_cast %swap3A_648 : vector<1x16xf32> to vector<16xf32>
      %swap3A_650 = vector.shape_cast %mul3A_644 : vector<16xf32> to vector<1x16xf32>
      tpu.vector_store %arg15[%swap3A_646, %swap3A_647], %swap3A_650 {strides = array<i32>} : memref<40x128xf32, #tpu.memory_space<vmem>>, vector<1x16xf32>,
      %mul3A_651 = arith.mulf %scan3A_593#3, %div3A_630 : vector<16xf32>
      %swap3A_652 = arith.constant 39 : i32
      %swap3A_653 = arith.index_cast %swap3A_652 : i32 to index
      %swap3A_654 = arith.constant 48 : index
      %swap3A_655 = tpu.vector_load %arg15[%swap3A_653, %swap3A_654] {strides = array<i32>} : memref<40x128xf32, #tpu.memory_space<vmem>>, vector<1x16xf32>,
      %swap3A_656 = vector.shape_cast %swap3A_655 : vector<1x16xf32> to vector<16xf32>
      %swap3A_657 = vector.shape_cast %mul3A_651 : vector<16xf32> to vector<1x16xf32>
      tpu.vector_store %arg15[%swap3A_653, %swap3A_654], %swap3A_657 {strides = array<i32>} : memref<40x128xf32, #tpu.memory_space<vmem>>, vector<1x16xf32>,
      %mul3A_658 = arith.mulf %scan3A_593#4, %div3A_630 : vector<16xf32>
      %swap3A_659 = arith.constant 39 : i32
      %swap3A_660 = arith.index_cast %swap3A_659 : i32 to index
      %swap3A_661 = arith.constant 64 : index
      %swap3A_662 = tpu.vector_load %arg15[%swap3A_660, %swap3A_661] {strides = array<i32>} : memref<40x128xf32, #tpu.memory_space<vmem>>, vector<1x16xf32>,
      %swap3A_663 = vector.shape_cast %swap3A_662 : vector<1x16xf32> to vector<16xf32>
      %swap3A_664 = vector.shape_cast %mul3A_658 : vector<16xf32> to vector<1x16xf32>
      tpu.vector_store %arg15[%swap3A_660, %swap3A_661], %swap3A_664 {strides = array<i32>} : memref<40x128xf32, #tpu.memory_space<vmem>>, vector<1x16xf32>,
      %mul3A_665 = arith.mulf %scan3A_593#5, %div3A_630 : vector<16xf32>
      %swap3A_666 = arith.constant 39 : i32
      %swap3A_667 = arith.index_cast %swap3A_666 : i32 to index
      %swap3A_668 = arith.constant 80 : index
      %swap3A_669 = tpu.vector_load %arg15[%swap3A_667, %swap3A_668] {strides = array<i32>} : memref<40x128xf32, #tpu.memory_space<vmem>>, vector<1x16xf32>,
      %swap3A_670 = vector.shape_cast %swap3A_669 : vector<1x16xf32> to vector<16xf32>
      %swap3A_671 = vector.shape_cast %mul3A_665 : vector<16xf32> to vector<1x16xf32>
      tpu.vector_store %arg15[%swap3A_667, %swap3A_668], %swap3A_671 {strides = array<i32>} : memref<40x128xf32, #tpu.memory_space<vmem>>, vector<1x16xf32>,
      %mul3A_672 = arith.mulf %scan3A_593#6, %div3A_630 : vector<16xf32>
      %swap3A_673 = arith.constant 39 : i32
      %swap3A_674 = arith.index_cast %swap3A_673 : i32 to index
      %swap3A_675 = arith.constant 96 : index
      %swap3A_676 = tpu.vector_load %arg15[%swap3A_674, %swap3A_675] {strides = array<i32>} : memref<40x128xf32, #tpu.memory_space<vmem>>, vector<1x16xf32>,
      %swap3A_677 = vector.shape_cast %swap3A_676 : vector<1x16xf32> to vector<16xf32>
      %swap3A_678 = vector.shape_cast %mul3A_672 : vector<16xf32> to vector<1x16xf32>
      tpu.vector_store %arg15[%swap3A_674, %swap3A_675], %swap3A_678 {strides = array<i32>} : memref<40x128xf32, #tpu.memory_space<vmem>>, vector<1x16xf32>,
      %mul3A_679 = arith.mulf %scan3A_593#7, %div3A_630 : vector<16xf32>
      %swap3A_680 = arith.constant 39 : i32
      %swap3A_681 = arith.index_cast %swap3A_680 : i32 to index
      %swap3A_682 = arith.constant 112 : index
      %swap3A_683 = tpu.vector_load %arg15[%swap3A_681, %swap3A_682] {strides = array<i32>} : memref<40x128xf32, #tpu.memory_space<vmem>>, vector<1x16xf32>,
      %swap3A_684 = vector.shape_cast %swap3A_683 : vector<1x16xf32> to vector<16xf32>
      %swap3A_685 = vector.shape_cast %mul3A_679 : vector<16xf32> to vector<1x16xf32>
      tpu.vector_store %arg15[%swap3A_681, %swap3A_682], %swap3A_685 {strides = array<i32>} : memref<40x128xf32, #tpu.memory_space<vmem>>, vector<1x16xf32>,
      "tpu.region"() ({
        %run_scoped3A = tpu.sem_alloc : memref<!tpu.dma_semaphore, #tpu.memory_space<semaphore_mem>>
        %dma_start3A_713 = arith.constant 0 : i32
        %dma_start3A_714 = tpu.memref_slice %arg11[%rem3A_243, %dma_start3A_713] : memref<2x40xi32, #tpu.memory_space<vmem>> -> memref<1x40xi32, #tpu.memory_space<vmem>>
        %dma_start3A_715 = tpu.memref_squeeze %dma_start3A_714 : memref<1x40xi32, #tpu.memory_space<vmem>> -> memref<40xi32, #tpu.memory_space<vmem>>
        %dma_start3A_716 = arith.constant 0 : i32
        %dma_start3A_717 = arith.constant 0 : i32
        %dma_start3A_718 = tpu.memref_slice %arg17[%dma_start3A_716, %dma_start3A_717] : memref<10000x128xf32, #tpu.memory_space<vmem_shared>> -> memref<10000x128xf32, #tpu.memory_space<vmem_shared>>
        tpu.enqueue_indirect_dma source(%arg15 : memref<40x128xf32, #tpu.memory_space<vmem>>) target(%dma_start3A_718 : memref<10000x128xf32, #tpu.memory_space<vmem_shared>>) offsets(%dma_start3A_715 : memref<40xi32, #tpu.memory_space<vmem>>) semaphore(%run_scoped3A : memref<!tpu.dma_semaphore, #tpu.memory_space<semaphore_mem>>) {add = true}
        %dma_wait3A_719 = arith.constant 0 : i32
        %dma_wait3A_720 = tpu.memref_slice %arg11[%rem3A_243, %dma_wait3A_719] : memref<2x40xi32, #tpu.memory_space<vmem>> -> memref<1x40xi32, #tpu.memory_space<vmem>>
        %dma_wait3A_721 = tpu.memref_squeeze %dma_wait3A_720 : memref<1x40xi32, #tpu.memory_space<vmem>> -> memref<40xi32, #tpu.memory_space<vmem>>
        %dma_wait3A_722 = arith.constant 0 : i32
        %dma_wait3A_723 = arith.constant 0 : i32
        %dma_wait3A_724 = tpu.memref_slice %arg17[%dma_wait3A_722, %dma_wait3A_723] : memref<10000x128xf32, #tpu.memory_space<vmem_shared>> -> memref<10000x128xf32, #tpu.memory_space<vmem_shared>>
        tpu.wait_indirect_dma semaphore(%run_scoped3A : memref<!tpu.dma_semaphore, #tpu.memory_space<semaphore_mem>>) src(%arg15 : memref<40x128xf32, #tpu.memory_space<vmem>>) dst(%dma_wait3A_724 : memref<10000x128xf32, #tpu.memory_space<vmem_shared>>)
        tpu.yield
      }) : () -> ()
      %add3A_686 = arith.constant 2 : i32
      %add3A_687 = arith.addi %scan3A_242, %add3A_686 : i32
      %min3A_688 = arith.constant 249 : i32
      %min3A_689 = arith.minsi %add3A_687, %min3A_688 : i32
      %mul3A_690 = arith.constant 40 : i32
      %mul3A_691 = arith.muli %min3A_689, %mul3A_690 : i32
      %add3A_692 = arith.addi %mul3A_6, %mul3A_691 : i32
      %dma_start3A_693 = arith.constant 0 : i32
      %dma_start3A_694 = tpu.memref_slice %arg10[%rem3A_243, %dma_start3A_693] : memref<2x40xi32, #tpu.memory_space<vmem>> -> memref<1x40xi32, #tpu.memory_space<vmem>>
      %dma_start3A_695 = tpu.memref_squeeze %dma_start3A_694 : memref<1x40xi32, #tpu.memory_space<vmem>> -> memref<40xi32, #tpu.memory_space<vmem>>
      %dma_start3A_696 = tpu.memref_slice %arg5[%add3A_692] : memref<320000xi32, #tpu.memory_space<hbm>> -> memref<40xi32, #tpu.memory_space<hbm>>
      %dma_start3A_697 = tpu.memref_slice %arg18[%rem3A_243] : memref<2x!tpu.dma_semaphore, #tpu.memory_space<semaphore_mem>> -> memref<1x!tpu.dma_semaphore, #tpu.memory_space<semaphore_mem>>
      %dma_start3A_698 = tpu.memref_squeeze %dma_start3A_697 : memref<1x!tpu.dma_semaphore, #tpu.memory_space<semaphore_mem>> -> memref<!tpu.dma_semaphore, #tpu.memory_space<semaphore_mem>>
      %dma_start3A_699 = arith.constant 0 : i32
      %dma_start3A_700 = tpu.memref_slice %arg10[%rem3A_243, %dma_start3A_699] : memref<2x40xi32, #tpu.memory_space<vmem>> -> memref<1x40xi32, #tpu.memory_space<vmem>>
      %dma_start3A_701 = tpu.memref_squeeze %dma_start3A_700 : memref<1x40xi32, #tpu.memory_space<vmem>> -> memref<40xi32, #tpu.memory_space<vmem>>
      %dma_start3A_702 = tpu.memref_slice %arg5[%add3A_692] : memref<320000xi32, #tpu.memory_space<hbm>> -> memref<40xi32, #tpu.memory_space<hbm>>
      tpu.enqueue_dma source(%dma_start3A_702 : memref<40xi32, #tpu.memory_space<hbm>>) target(%dma_start3A_701 : memref<40xi32, #tpu.memory_space<vmem>>) target_semaphore(%dma_start3A_698 : memref<!tpu.dma_semaphore, #tpu.memory_space<semaphore_mem>>)
      %dma_start3A_703 = arith.constant 0 : i32
      %dma_start3A_704 = tpu.memref_slice %arg11[%rem3A_243, %dma_start3A_703] : memref<2x40xi32, #tpu.memory_space<vmem>> -> memref<1x40xi32, #tpu.memory_space<vmem>>
      %dma_start3A_705 = tpu.memref_squeeze %dma_start3A_704 : memref<1x40xi32, #tpu.memory_space<vmem>> -> memref<40xi32, #tpu.memory_space<vmem>>
      %dma_start3A_706 = tpu.memref_slice %arg6[%add3A_692] : memref<320000xi32, #tpu.memory_space<hbm>> -> memref<40xi32, #tpu.memory_space<hbm>>
      %dma_start3A_707 = tpu.memref_slice %arg19[%rem3A_243] : memref<2x!tpu.dma_semaphore, #tpu.memory_space<semaphore_mem>> -> memref<1x!tpu.dma_semaphore, #tpu.memory_space<semaphore_mem>>
      %dma_start3A_708 = tpu.memref_squeeze %dma_start3A_707 : memref<1x!tpu.dma_semaphore, #tpu.memory_space<semaphore_mem>> -> memref<!tpu.dma_semaphore, #tpu.memory_space<semaphore_mem>>
      %dma_start3A_709 = arith.constant 0 : i32
      %dma_start3A_710 = tpu.memref_slice %arg11[%rem3A_243, %dma_start3A_709] : memref<2x40xi32, #tpu.memory_space<vmem>> -> memref<1x40xi32, #tpu.memory_space<vmem>>
      %dma_start3A_711 = tpu.memref_squeeze %dma_start3A_710 : memref<1x40xi32, #tpu.memory_space<vmem>> -> memref<40xi32, #tpu.memory_space<vmem>>
      %dma_start3A_712 = tpu.memref_slice %arg6[%add3A_692] : memref<320000xi32, #tpu.memory_space<hbm>> -> memref<40xi32, #tpu.memory_space<hbm>>
      tpu.enqueue_dma source(%dma_start3A_712 : memref<40xi32, #tpu.memory_space<hbm>>) target(%dma_start3A_711 : memref<40xi32, #tpu.memory_space<vmem>>) target_semaphore(%dma_start3A_708 : memref<!tpu.dma_semaphore, #tpu.memory_space<semaphore_mem>>)
    }
    %scan3A_159 = arith.constant 250 : i32
    %dma_wait3A_160 = arith.constant 0 : i32
    %dma_wait3A_161 = arith.constant 0 : i32
    %dma_wait3A_162 = arith.constant 0 : i32
    %dma_wait3A_163 = arith.constant 0 : i32
    %dma_wait3A_164 = arith.constant 0 : i32
    %dma_wait3A_165 = tpu.memref_slice %arg12[%dma_wait3A_161, %dma_wait3A_163, %dma_wait3A_164] : memref<2x40x128xf32, #tpu.memory_space<vmem>> -> memref<1x40x128xf32, #tpu.memory_space<vmem>>
    %dma_wait3A_166 = tpu.memref_squeeze %dma_wait3A_165 : memref<1x40x128xf32, #tpu.memory_space<vmem>> -> memref<40x128xf32, #tpu.memory_space<vmem>>
    %dma_wait3A_167 = arith.constant 0 : i32
    %dma_wait3A_168 = tpu.memref_slice %arg10[%dma_wait3A_160, %dma_wait3A_167] : memref<2x40xi32, #tpu.memory_space<vmem>> -> memref<1x40xi32, #tpu.memory_space<vmem>>
    %dma_wait3A_169 = tpu.memref_squeeze %dma_wait3A_168 : memref<1x40xi32, #tpu.memory_space<vmem>> -> memref<40xi32, #tpu.memory_space<vmem>>
    %dma_wait3A_170 = arith.constant 0 : i32
    %dma_wait3A_171 = arith.constant 0 : i32
    %dma_wait3A_172 = tpu.memref_slice %arg2[%dma_wait3A_170, %dma_wait3A_171] : memref<10000x128xf32, #tpu.memory_space<hbm>> -> memref<10000x128xf32, #tpu.memory_space<hbm>>
    %dma_wait3A_173 = tpu.memref_slice %arg20[%dma_wait3A_162] : memref<2x!tpu.dma_semaphore, #tpu.memory_space<semaphore_mem>> -> memref<1x!tpu.dma_semaphore, #tpu.memory_space<semaphore_mem>>
    %dma_wait3A_174 = tpu.memref_squeeze %dma_wait3A_173 : memref<1x!tpu.dma_semaphore, #tpu.memory_space<semaphore_mem>> -> memref<!tpu.dma_semaphore, #tpu.memory_space<semaphore_mem>>
    tpu.wait_indirect_dma semaphore(%dma_wait3A_174 : memref<!tpu.dma_semaphore, #tpu.memory_space<semaphore_mem>>) src(%dma_wait3A_172 : memref<10000x128xf32, #tpu.memory_space<hbm>>) dst(%dma_wait3A_166 : memref<40x128xf32, #tpu.memory_space<vmem>>)
    %dma_wait3A_175 = arith.constant 0 : i32
    %dma_wait3A_176 = arith.constant 0 : i32
    %dma_wait3A_177 = arith.constant 0 : i32
    %dma_wait3A_178 = arith.constant 0 : i32
    %dma_wait3A_179 = arith.constant 0 : i32
    %dma_wait3A_180 = tpu.memref_slice %arg13[%dma_wait3A_176, %dma_wait3A_178, %dma_wait3A_179] : memref<2x40x128xf32, #tpu.memory_space<vmem>> -> memref<1x40x128xf32, #tpu.memory_space<vmem>>
    %dma_wait3A_181 = tpu.memref_squeeze %dma_wait3A_180 : memref<1x40x128xf32, #tpu.memory_space<vmem>> -> memref<40x128xf32, #tpu.memory_space<vmem>>
    %dma_wait3A_182 = arith.constant 0 : i32
    %dma_wait3A_183 = tpu.memref_slice %arg11[%dma_wait3A_175, %dma_wait3A_182] : memref<2x40xi32, #tpu.memory_space<vmem>> -> memref<1x40xi32, #tpu.memory_space<vmem>>
    %dma_wait3A_184 = tpu.memref_squeeze %dma_wait3A_183 : memref<1x40xi32, #tpu.memory_space<vmem>> -> memref<40xi32, #tpu.memory_space<vmem>>
    %dma_wait3A_185 = arith.constant 0 : i32
    %dma_wait3A_186 = arith.constant 0 : i32
    %dma_wait3A_187 = tpu.memref_slice %arg3[%dma_wait3A_185, %dma_wait3A_186] : memref<10000x128xf32, #tpu.memory_space<hbm>> -> memref<10000x128xf32, #tpu.memory_space<hbm>>
    %dma_wait3A_188 = tpu.memref_slice %arg21[%dma_wait3A_177] : memref<2x!tpu.dma_semaphore, #tpu.memory_space<semaphore_mem>> -> memref<1x!tpu.dma_semaphore, #tpu.memory_space<semaphore_mem>>
    %dma_wait3A_189 = tpu.memref_squeeze %dma_wait3A_188 : memref<1x!tpu.dma_semaphore, #tpu.memory_space<semaphore_mem>> -> memref<!tpu.dma_semaphore, #tpu.memory_space<semaphore_mem>>
    tpu.wait_indirect_dma semaphore(%dma_wait3A_189 : memref<!tpu.dma_semaphore, #tpu.memory_space<semaphore_mem>>) src(%dma_wait3A_187 : memref<10000x128xf32, #tpu.memory_space<hbm>>) dst(%dma_wait3A_181 : memref<40x128xf32, #tpu.memory_space<vmem>>)
    %dma_wait3A_190 = arith.constant 0 : i32
    %dma_wait3A_191 = arith.constant 0 : i32
    %dma_wait3A_192 = arith.constant 0 : i32
    %dma_wait3A_193 = arith.constant 0 : i32
    %dma_wait3A_194 = tpu.memref_slice %arg14[%dma_wait3A_190, %dma_wait3A_192, %dma_wait3A_193] : memref<2x40x128xf32, #tpu.memory_space<vmem>> -> memref<1x40x128xf32, #tpu.memory_space<vmem>>
    %dma_wait3A_195 = tpu.memref_squeeze %dma_wait3A_194 : memref<1x40x128xf32, #tpu.memory_space<vmem>> -> memref<40x128xf32, #tpu.memory_space<vmem>>
    %dma_wait3A_196 = arith.constant 0 : i32
    %dma_wait3A_197 = arith.constant 0 : i32
    %dma_wait3A_198 = tpu.memref_slice %arg4[%dma_wait3A_196, %dma_wait3A_197] : memref<320000x128xf32, #tpu.memory_space<hbm>> -> memref<40x128xf32, #tpu.memory_space<hbm>>
    %dma_wait3A_199 = tpu.memref_slice %arg22[%dma_wait3A_191] : memref<2x!tpu.dma_semaphore, #tpu.memory_space<semaphore_mem>> -> memref<1x!tpu.dma_semaphore, #tpu.memory_space<semaphore_mem>>
    %dma_wait3A_200 = tpu.memref_squeeze %dma_wait3A_199 : memref<1x!tpu.dma_semaphore, #tpu.memory_space<semaphore_mem>> -> memref<!tpu.dma_semaphore, #tpu.memory_space<semaphore_mem>>
    %dma_wait3A_201 = arith.constant 0 : i32
    %dma_wait3A_202 = arith.constant 0 : i32
    %dma_wait3A_203 = tpu.memref_slice %arg14[%dma_wait3A_190, %dma_wait3A_201, %dma_wait3A_202] : memref<2x40x128xf32, #tpu.memory_space<vmem>> -> memref<1x40x128xf32, #tpu.memory_space<vmem>>
    %dma_wait3A_204 = tpu.memref_squeeze %dma_wait3A_203 : memref<1x40x128xf32, #tpu.memory_space<vmem>> -> memref<40x128xf32, #tpu.memory_space<vmem>>
    %dma_wait3A_205 = arith.constant 0 : i32
    %dma_wait3A_206 = arith.constant 0 : i32
    %dma_wait3A_207 = tpu.memref_slice %arg4[%dma_wait3A_205, %dma_wait3A_206] : memref<320000x128xf32, #tpu.memory_space<hbm>> -> memref<40x128xf32, #tpu.memory_space<hbm>>
    tpu.wait_dma2 semaphore(%dma_wait3A_200 : memref<!tpu.dma_semaphore, #tpu.memory_space<semaphore_mem>>) src(%dma_wait3A_207 : memref<40x128xf32, #tpu.memory_space<hbm>>) dst(%dma_wait3A_204 : memref<40x128xf32, #tpu.memory_space<vmem>>)
    %dma_wait3A_208 = arith.constant 1 : i32
    %dma_wait3A_209 = arith.constant 1 : i32
    %dma_wait3A_210 = arith.constant 0 : i32
    %dma_wait3A_211 = tpu.memref_slice %arg10[%dma_wait3A_208, %dma_wait3A_210] : memref<2x40xi32, #tpu.memory_space<vmem>> -> memref<1x40xi32, #tpu.memory_space<vmem>>
    %dma_wait3A_212 = tpu.memref_squeeze %dma_wait3A_211 : memref<1x40xi32, #tpu.memory_space<vmem>> -> memref<40xi32, #tpu.memory_space<vmem>>
    %dma_wait3A_213 = arith.constant 0 : i32
    %dma_wait3A_214 = tpu.memref_slice %arg5[%dma_wait3A_213] : memref<320000xi32, #tpu.memory_space<hbm>> -> memref<40xi32, #tpu.memory_space<hbm>>
    %dma_wait3A_215 = tpu.memref_slice %arg18[%dma_wait3A_209] : memref<2x!tpu.dma_semaphore, #tpu.memory_space<semaphore_mem>> -> memref<1x!tpu.dma_semaphore, #tpu.memory_space<semaphore_mem>>
    %dma_wait3A_216 = tpu.memref_squeeze %dma_wait3A_215 : memref<1x!tpu.dma_semaphore, #tpu.memory_space<semaphore_mem>> -> memref<!tpu.dma_semaphore, #tpu.memory_space<semaphore_mem>>
    %dma_wait3A_217 = arith.constant 0 : i32
    %dma_wait3A_218 = tpu.memref_slice %arg10[%dma_wait3A_208, %dma_wait3A_217] : memref<2x40xi32, #tpu.memory_space<vmem>> -> memref<1x40xi32, #tpu.memory_space<vmem>>
    %dma_wait3A_219 = tpu.memref_squeeze %dma_wait3A_218 : memref<1x40xi32, #tpu.memory_space<vmem>> -> memref<40xi32, #tpu.memory_space<vmem>>
    %dma_wait3A_220 = arith.constant 0 : i32
    %dma_wait3A_221 = tpu.memref_slice %arg5[%dma_wait3A_220] : memref<320000xi32, #tpu.memory_space<hbm>> -> memref<40xi32, #tpu.memory_space<hbm>>
    tpu.wait_dma2 semaphore(%dma_wait3A_216 : memref<!tpu.dma_semaphore, #tpu.memory_space<semaphore_mem>>) src(%dma_wait3A_221 : memref<40xi32, #tpu.memory_space<hbm>>) dst(%dma_wait3A_219 : memref<40xi32, #tpu.memory_space<vmem>>)
    %dma_wait3A_222 = arith.constant 1 : i32
    %dma_wait3A_223 = arith.constant 1 : i32
    %dma_wait3A_224 = arith.constant 0 : i32
    %dma_wait3A_225 = tpu.memref_slice %arg11[%dma_wait3A_222, %dma_wait3A_224] : memref<2x40xi32, #tpu.memory_space<vmem>> -> memref<1x40xi32, #tpu.memory_space<vmem>>
    %dma_wait3A_226 = tpu.memref_squeeze %dma_wait3A_225 : memref<1x40xi32, #tpu.memory_space<vmem>> -> memref<40xi32, #tpu.memory_space<vmem>>
    %dma_wait3A_227 = arith.constant 0 : i32
    %dma_wait3A_228 = tpu.memref_slice %arg6[%dma_wait3A_227] : memref<320000xi32, #tpu.memory_space<hbm>> -> memref<40xi32, #tpu.memory_space<hbm>>
    %dma_wait3A_229 = tpu.memref_slice %arg19[%dma_wait3A_223] : memref<2x!tpu.dma_semaphore, #tpu.memory_space<semaphore_mem>> -> memref<1x!tpu.dma_semaphore, #tpu.memory_space<semaphore_mem>>
    %dma_wait3A_230 = tpu.memref_squeeze %dma_wait3A_229 : memref<1x!tpu.dma_semaphore, #tpu.memory_space<semaphore_mem>> -> memref<!tpu.dma_semaphore, #tpu.memory_space<semaphore_mem>>
    %dma_wait3A_231 = arith.constant 0 : i32
    %dma_wait3A_232 = tpu.memref_slice %arg11[%dma_wait3A_222, %dma_wait3A_231] : memref<2x40xi32, #tpu.memory_space<vmem>> -> memref<1x40xi32, #tpu.memory_space<vmem>>
    %dma_wait3A_233 = tpu.memref_squeeze %dma_wait3A_232 : memref<1x40xi32, #tpu.memory_space<vmem>> -> memref<40xi32, #tpu.memory_space<vmem>>
    %dma_wait3A_234 = arith.constant 0 : i32
    %dma_wait3A_235 = tpu.memref_slice %arg6[%dma_wait3A_234] : memref<320000xi32, #tpu.memory_space<hbm>> -> memref<40xi32, #tpu.memory_space<hbm>>
    tpu.wait_dma2 semaphore(%dma_wait3A_230 : memref<!tpu.dma_semaphore, #tpu.memory_space<semaphore_mem>>) src(%dma_wait3A_235 : memref<40xi32, #tpu.memory_space<hbm>>) dst(%dma_wait3A_233 : memref<40xi32, #tpu.memory_space<vmem>>)
    %barrier3A_236 = arith.constant 0 : index
    tpu.barrier barrier_id(%barrier3A_236)
    "tpu.region"() ({
      %run_scoped3A = tpu.sem_alloc : memref<!tpu.dma_semaphore, #tpu.memory_space<semaphore_mem>>
      %dma_start3A_242 = arith.constant 0 : i32
      %dma_start3A_243 = tpu.memref_slice %arg9[%arg0, %multiple_of3A, %dma_start3A_242] : memref<2x10000x128xf32, #tpu.memory_space<hbm>> -> memref<1x624x128xf32, #tpu.memory_space<hbm>>
      %dma_start3A_244 = tpu.memref_squeeze %dma_start3A_243 : memref<1x624x128xf32, #tpu.memory_space<hbm>> -> memref<624x128xf32, #tpu.memory_space<hbm>>
      %dma_start3A_245 = arith.constant 0 : i32
      %dma_start3A_246 = tpu.memref_slice %arg17[%multiple_of3A, %dma_start3A_245] : memref<10000x128xf32, #tpu.memory_space<vmem_shared>> -> memref<624x128xf32, #tpu.memory_space<vmem_shared>>
      tpu.enqueue_dma source(%dma_start3A_246 : memref<624x128xf32, #tpu.memory_space<vmem_shared>>) target(%dma_start3A_244 : memref<624x128xf32, #tpu.memory_space<hbm>>) target_semaphore(%run_scoped3A : memref<!tpu.dma_semaphore, #tpu.memory_space<semaphore_mem>>)
      %dma_wait3A_247 = arith.constant 0 : i32
      %dma_wait3A_248 = tpu.memref_slice %arg9[%arg0, %multiple_of3A, %dma_wait3A_247] : memref<2x10000x128xf32, #tpu.memory_space<hbm>> -> memref<1x624x128xf32, #tpu.memory_space<hbm>>
      %dma_wait3A_249 = tpu.memref_squeeze %dma_wait3A_248 : memref<1x624x128xf32, #tpu.memory_space<hbm>> -> memref<624x128xf32, #tpu.memory_space<hbm>>
      %dma_wait3A_250 = arith.constant 0 : i32
      %dma_wait3A_251 = tpu.memref_slice %arg17[%multiple_of3A, %dma_wait3A_250] : memref<10000x128xf32, #tpu.memory_space<vmem_shared>> -> memref<624x128xf32, #tpu.memory_space<vmem_shared>>
      tpu.wait_dma2 semaphore(%run_scoped3A : memref<!tpu.dma_semaphore, #tpu.memory_space<semaphore_mem>>) src(%dma_wait3A_251 : memref<624x128xf32, #tpu.memory_space<vmem_shared>>) dst(%dma_wait3A_249 : memref<624x128xf32, #tpu.memory_space<hbm>>)
      tpu.yield
    }) : () -> ()
    %eq3A_237 = arith.constant 15 : i32
    %eq3A_238 = arith.cmpi eq, %arg1, %eq3A_237 : i32
    %convert_element_type3A_239 = arith.extui %eq3A_238 : i1 to i32
    %cond3A_240 = arith.constant 0 : i32
    %cond3A_241 = arith.cmpi ne, %convert_element_type3A_239, %cond3A_240 : i32
    scf.if %cond3A_241 {
      "tpu.region"() ({
        %run_scoped3A = tpu.sem_alloc : memref<!tpu.dma_semaphore, #tpu.memory_space<semaphore_mem>>
        %dma_start3A_242 = arith.constant 9984 : i32
        %dma_start3A_243 = arith.constant 0 : i32
        %dma_start3A_244 = tpu.memref_slice %arg9[%arg0, %dma_start3A_242, %dma_start3A_243] : memref<2x10000x128xf32, #tpu.memory_space<hbm>> -> memref<1x16x128xf32, #tpu.memory_space<hbm>>
        %dma_start3A_245 = tpu.memref_squeeze %dma_start3A_244 : memref<1x16x128xf32, #tpu.memory_space<hbm>> -> memref<16x128xf32, #tpu.memory_space<hbm>>
        %dma_start3A_246 = arith.constant 9984 : i32
        %dma_start3A_247 = arith.constant 0 : i32
        %dma_start3A_248 = tpu.memref_slice %arg17[%dma_start3A_246, %dma_start3A_247] : memref<10000x128xf32, #tpu.memory_space<vmem_shared>> -> memref<16x128xf32, #tpu.memory_space<vmem_shared>>
        tpu.enqueue_dma source(%dma_start3A_248 : memref<16x128xf32, #tpu.memory_space<vmem_shared>>) target(%dma_start3A_245 : memref<16x128xf32, #tpu.memory_space<hbm>>) target_semaphore(%run_scoped3A : memref<!tpu.dma_semaphore, #tpu.memory_space<semaphore_mem>>)
        %dma_wait3A_249 = arith.constant 9984 : i32
        %dma_wait3A_250 = arith.constant 0 : i32
        %dma_wait3A_251 = tpu.memref_slice %arg9[%arg0, %dma_wait3A_249, %dma_wait3A_250] : memref<2x10000x128xf32, #tpu.memory_space<hbm>> -> memref<1x16x128xf32, #tpu.memory_space<hbm>>
        %dma_wait3A_252 = tpu.memref_squeeze %dma_wait3A_251 : memref<1x16x128xf32, #tpu.memory_space<hbm>> -> memref<16x128xf32, #tpu.memory_space<hbm>>
        %dma_wait3A_253 = arith.constant 9984 : i32
        %dma_wait3A_254 = arith.constant 0 : i32
        %dma_wait3A_255 = tpu.memref_slice %arg17[%dma_wait3A_253, %dma_wait3A_254] : memref<10000x128xf32, #tpu.memory_space<vmem_shared>> -> memref<16x128xf32, #tpu.memory_space<vmem_shared>>
        tpu.wait_dma2 semaphore(%run_scoped3A : memref<!tpu.dma_semaphore, #tpu.memory_space<semaphore_mem>>) src(%dma_wait3A_255 : memref<16x128xf32, #tpu.memory_space<vmem_shared>>) dst(%dma_wait3A_252 : memref<16x128xf32, #tpu.memory_space<hbm>>)
        tpu.yield
      }) : () -> ()
    } else {
    }
    return
  }
}

module attributes {stable_mosaic.version = 14 : i64} {
  func.func @_edge_mm_body(%arg0: i32, %arg1: memref<4000x16xf32, #tpu.memory_space<vmem>>, %arg2: memref<16x128xf32, #tpu.memory_space<vmem>>, %arg3: memref<1x128xf32, #tpu.memory_space<vmem>>, %arg4: memref<4000x128xf32, #tpu.memory_space<vmem>>) attributes {dimension_semantics = [#tpu.dimension_semantics<arbitrary>], iteration_bounds = array<i64: 80>, scalar_prefetch = 0 : i64, scratch_operands = 0 : i64, tpu.core_type = #tpu.core_type<tc>, window_params = [{transform_indices = @transform_0, window_bounds = array<i64: 4000, 16>}, {pipeline_mode = #tpu.pipeline_mode<synchronous>, transform_indices = @transform_1, window_bounds = array<i64: 16, 128>}, {pipeline_mode = #tpu.pipeline_mode<synchronous>, transform_indices = @transform_2, window_bounds = array<i64: 1, 128>}, {transform_indices = @transform_3, window_bounds = array<i64: 4000, 128>}]} {
    %get3A = arith.constant 0 : index
    %get3A_0 = arith.constant 0 : index
    %get3A_1 = vector.load %arg1[%get3A, %get3A_0] : memref<4000x16xf32, #tpu.memory_space<vmem>>, vector<4000x16xf32>
    %get3A_2 = arith.constant 0 : index
    %get3A_3 = arith.constant 0 : index
    %get3A_4 = vector.load %arg2[%get3A_2, %get3A_3] : memref<16x128xf32, #tpu.memory_space<vmem>>, vector<16x128xf32>
    %dot_general3A = arith.constant dense<0.000000e+00> : vector<4000x128xf32>
    %dot_general3A_5 = tpu.matmul %get3A_1, %get3A_4, %dot_general3A {dimension_numbers = #tpu.dot_dimension_numbers<[1], [0], [0], [1], [0, 0, 1, 1], [], []>, precision = #tpu.contract_precision<fp32>, transpose_lhs_hint = false} : vector<4000x16xf32>, vector<16x128xf32>, vector<4000x128xf32> -> vector<4000x128xf32>
    %get3A_6 = arith.constant 0 : index
    %get3A_7 = arith.constant 0 : index
    %get3A_8 = vector.load %arg3[%get3A_6, %get3A_7] : memref<1x128xf32, #tpu.memory_space<vmem>>, vector<1x128xf32>
    %add3A = vector.broadcast %get3A_8 : vector<1x128xf32> to vector<4000x128xf32>
    %add3A_9 = arith.addf %dot_general3A_5, %add3A : vector<4000x128xf32>
    %swap3A = arith.constant 0 : index
    %swap3A_10 = arith.constant 0 : index
    %swap3A_11 = vector.load %arg4[%swap3A, %swap3A_10] : memref<4000x128xf32, #tpu.memory_space<vmem>>, vector<4000x128xf32>
    tpu.vector_store %arg4[%swap3A, %swap3A_10], %add3A_9 {strides = array<i32>} : memref<4000x128xf32, #tpu.memory_space<vmem>>, vector<4000x128xf32>,
    return
  }
  func.func @transform_0(%arg0: i32) -> (i32, i32) {
    %c0_i32 = arith.constant 0 : i32
    %c0_i32_0 = arith.constant 0 : i32
    return %arg0, %c0_i32 : i32, i32
  }
  func.func @transform_1(%arg0: i32) -> (i32, i32) {
    %c0_i32 = arith.constant 0 : i32
    %c0_i32_0 = arith.constant 0 : i32
    %c0_i32_1 = arith.constant 0 : i32
    return %c0_i32, %c0_i32_0 : i32, i32
  }
  func.func @transform_2(%arg0: i32) -> (i32, i32) {
    %c0_i32 = arith.constant 0 : i32
    %c0_i32_0 = arith.constant 0 : i32
    %c0_i32_1 = arith.constant 0 : i32
    return %c0_i32, %c0_i32_0 : i32, i32
  }
  func.func @transform_3(%arg0: i32) -> (i32, i32) {
    %c0_i32 = arith.constant 0 : i32
    %c0_i32_0 = arith.constant 0 : i32
    return %arg0, %c0_i32 : i32, i32
  }
}

module attributes {stable_mosaic.version = 14 : i64} {
  func.func @_mm2_body(%arg0: i32, %arg1: memref<1000x128xf32, #tpu.memory_space<vmem>>, %arg2: memref<1000x128xf32, #tpu.memory_space<vmem>>, %arg3: memref<128x128xf32, #tpu.memory_space<vmem>>, %arg4: memref<128x128xf32, #tpu.memory_space<vmem>>, %arg5: memref<1000x128xf32, #tpu.memory_space<vmem>>, %arg6: memref<1000x128xf32, #tpu.memory_space<vmem>>) attributes {dimension_semantics = [#tpu.dimension_semantics<arbitrary>], iteration_bounds = array<i64: 10>, scalar_prefetch = 0 : i64, scratch_operands = 0 : i64, tpu.core_type = #tpu.core_type<tc>, window_params = [{transform_indices = @transform_0, window_bounds = array<i64: 1000, 128>}, {transform_indices = @transform_1, window_bounds = array<i64: 1000, 128>}, {pipeline_mode = #tpu.pipeline_mode<synchronous>, transform_indices = @transform_2, window_bounds = array<i64: 128, 128>}, {pipeline_mode = #tpu.pipeline_mode<synchronous>, transform_indices = @transform_3, window_bounds = array<i64: 128, 128>}, {transform_indices = @transform_4, window_bounds = array<i64: 1000, 128>}, {transform_indices = @transform_5, window_bounds = array<i64: 1000, 128>}]} {
    %get3A = arith.constant 0 : index
    %get3A_0 = arith.constant 0 : index
    %get3A_1 = vector.load %arg1[%get3A, %get3A_0] : memref<1000x128xf32, #tpu.memory_space<vmem>>, vector<1000x128xf32>
    %get3A_2 = arith.constant 0 : index
    %get3A_3 = arith.constant 0 : index
    %get3A_4 = vector.load %arg3[%get3A_2, %get3A_3] : memref<128x128xf32, #tpu.memory_space<vmem>>, vector<128x128xf32>
    %dot_general3A = arith.constant dense<0.000000e+00> : vector<1000x128xf32>
    %dot_general3A_5 = tpu.matmul %get3A_1, %get3A_4, %dot_general3A {dimension_numbers = #tpu.dot_dimension_numbers<[1], [0], [0], [1], [0, 0, 1, 1], [], []>, precision = #tpu.contract_precision<fp32>, transpose_lhs_hint = false} : vector<1000x128xf32>, vector<128x128xf32>, vector<1000x128xf32> -> vector<1000x128xf32>
    %swap3A = arith.constant 0 : index
    %swap3A_6 = arith.constant 0 : index
    %swap3A_7 = vector.load %arg5[%swap3A, %swap3A_6] : memref<1000x128xf32, #tpu.memory_space<vmem>>, vector<1000x128xf32>
    tpu.vector_store %arg5[%swap3A, %swap3A_6], %dot_general3A_5 {strides = array<i32>} : memref<1000x128xf32, #tpu.memory_space<vmem>>, vector<1000x128xf32>,
    %get3A_8 = arith.constant 0 : index
    %get3A_9 = arith.constant 0 : index
    %get3A_10 = vector.load %arg2[%get3A_8, %get3A_9] : memref<1000x128xf32, #tpu.memory_space<vmem>>, vector<1000x128xf32>
    %get3A_11 = arith.constant 0 : index
    %get3A_12 = arith.constant 0 : index
    %get3A_13 = vector.load %arg4[%get3A_11, %get3A_12] : memref<128x128xf32, #tpu.memory_space<vmem>>, vector<128x128xf32>
    %dot_general3A_14 = arith.constant dense<0.000000e+00> : vector<1000x128xf32>
    %dot_general3A_15 = tpu.matmul %get3A_10, %get3A_13, %dot_general3A_14 {dimension_numbers = #tpu.dot_dimension_numbers<[1], [0], [0], [1], [0, 0, 1, 1], [], []>, precision = #tpu.contract_precision<fp32>, transpose_lhs_hint = false} : vector<1000x128xf32>, vector<128x128xf32>, vector<1000x128xf32> -> vector<1000x128xf32>
    %swap3A_16 = arith.constant 0 : index
    %swap3A_17 = arith.constant 0 : index
    %swap3A_18 = vector.load %arg6[%swap3A_16, %swap3A_17] : memref<1000x128xf32, #tpu.memory_space<vmem>>, vector<1000x128xf32>
    tpu.vector_store %arg6[%swap3A_16, %swap3A_17], %dot_general3A_15 {strides = array<i32>} : memref<1000x128xf32, #tpu.memory_space<vmem>>, vector<1000x128xf32>,
    return
  }
  func.func @transform_0(%arg0: i32) -> (i32, i32) {
    %c0_i32 = arith.constant 0 : i32
    %c0_i32_0 = arith.constant 0 : i32
    return %arg0, %c0_i32 : i32, i32
  }
  func.func @transform_1(%arg0: i32) -> (i32, i32) {
    %c0_i32 = arith.constant 0 : i32
    %c0_i32_0 = arith.constant 0 : i32
    return %arg0, %c0_i32 : i32, i32
  }
  func.func @transform_2(%arg0: i32) -> (i32, i32) {
    %c0_i32 = arith.constant 0 : i32
    %c0_i32_0 = arith.constant 0 : i32
    %c0_i32_1 = arith.constant 0 : i32
    return %c0_i32, %c0_i32_0 : i32, i32
  }
  func.func @transform_3(%arg0: i32) -> (i32, i32) {
    %c0_i32 = arith.constant 0 : i32
    %c0_i32_0 = arith.constant 0 : i32
    %c0_i32_1 = arith.constant 0 : i32
    return %c0_i32, %c0_i32_0 : i32, i32
  }
  func.func @transform_4(%arg0: i32) -> (i32, i32) {
    %c0_i32 = arith.constant 0 : i32
    %c0_i32_0 = arith.constant 0 : i32
    return %arg0, %c0_i32 : i32, i32
  }
  func.func @transform_5(%arg0: i32) -> (i32, i32) {
    %c0_i32 = arith.constant 0 : i32
    %c0_i32_0 = arith.constant 0 : i32
    return %arg0, %c0_i32 : i32, i32
  }
}

module attributes {stable_mosaic.version = 14 : i64} {
  func.func @_sum2_body(%arg0: i32, %arg1: memref<2x2000x128xf32, #tpu.memory_space<vmem>>, %arg2: memref<2000x128xf32, #tpu.memory_space<vmem>>) attributes {dimension_semantics = [#tpu.dimension_semantics<arbitrary>], iteration_bounds = array<i64: 5>, scalar_prefetch = 0 : i64, scratch_operands = 0 : i64, tpu.core_type = #tpu.core_type<tc>, window_params = [{transform_indices = @transform_0, window_bounds = array<i64: 2, 2000, 128>}, {transform_indices = @transform_1, window_bounds = array<i64: 2000, 128>}]} {
    %get3A = arith.constant 0 : index
    %get3A_0 = arith.constant 0 : index
    %get3A_1 = arith.constant 0 : index
    %get3A_2 = vector.load %arg1[%get3A, %get3A_0, %get3A_1] : memref<2x2000x128xf32, #tpu.memory_space<vmem>>, vector<1x2000x128xf32>
    %get3A_3 = vector.shape_cast %get3A_2 : vector<1x2000x128xf32> to vector<2000x128xf32>
    %get3A_4 = arith.constant 1 : index
    %get3A_5 = arith.constant 0 : index
    %get3A_6 = arith.constant 0 : index
    %get3A_7 = vector.load %arg1[%get3A_4, %get3A_5, %get3A_6] : memref<2x2000x128xf32, #tpu.memory_space<vmem>>, vector<1x2000x128xf32>
    %get3A_8 = vector.shape_cast %get3A_7 : vector<1x2000x128xf32> to vector<2000x128xf32>
    %add3A = arith.addf %get3A_3, %get3A_8 : vector<2000x128xf32>
    %swap3A = arith.constant 0 : index
    %swap3A_9 = arith.constant 0 : index
    %swap3A_10 = vector.load %arg2[%swap3A, %swap3A_9] : memref<2000x128xf32, #tpu.memory_space<vmem>>, vector<2000x128xf32>
    tpu.vector_store %arg2[%swap3A, %swap3A_9], %add3A {strides = array<i32>} : memref<2000x128xf32, #tpu.memory_space<vmem>>, vector<2000x128xf32>,
    return
  }
  func.func @transform_0(%arg0: i32) -> (i32, i32, i32) {
    %c0_i32 = arith.constant 0 : i32
    %c0_i32_0 = arith.constant 0 : i32
    %c0_i32_1 = arith.constant 0 : i32
    return %c0_i32, %arg0, %c0_i32_0 : i32, i32, i32
  }
  func.func @transform_1(%arg0: i32) -> (i32, i32) {
    %c0_i32 = arith.constant 0 : i32
    %c0_i32_0 = arith.constant 0 : i32
    return %arg0, %c0_i32 : i32, i32
  }
}

</mosaic_0001>

<sc_bundles>
// kernel: kernel.6.cloned.1.call-start
scs
__scs_entry_jumppad:
0x0: {  	(pc) =	sbr.rel $0x88, $3  }
0x1: {  	(tag) =	ssettag $0x0;
	lr =	simm.s32 $0x1  }
0x2: {  	[smem:$0x3F98] =	sst lr;
	_ =	strace $0xD0000000  }
0x3: {  	_ = 	snop  }
0x4: {  	_ = 	snop  }
0x5: {  	_ = 	snop  }
0x6: {  	_ = 	snop  }
0x7: {  	_ = 	snop  }
__scs_overlays_trampoline_lowered:
0x8: {  	[smem:$0x3FA7] =	sst s0  }
0x9: {  	[smem:$0x3FA8] =	sst s1  }
0xa: {  	[smem:$0x3FA9] =	sst s2  }
0xb: {  	[smem:$0x3FAA] =	sst s3  }
0xc: {  	[smem:$0x3FAB] =	sst s4  }
0xd: {  	[smem:$0x3FAC] =	sst s5  }
0xe: {  	[smem:$0x3FAD] =	sst s6  }
0xf: {  	[smem:$0x3FAE] =	sst s7  }
0x10: {  	[smem:$0x3FAF] =	sst s8  }
0x11: {  	[smem:$0x3FB0] =	sst s9;
	s0 =	simm.s32 @!p0 $0x0  }
0x12: {  	s1 =	sld [smem:$0x3F96];
	s0 =	simm.s32 @p0 $0x1  }
0x13: {  	[smem:$0x3FB1] =	sst s0;
	s0 =	simm.s32 @!p1 $0x0  }
0x14: {  	s2 =	sld [smem:$0x3F95];
	s0 =	simm.s32 @p1 $0x1  }
0x15: {  	[smem:$0x3FB2] =	sst s0;
	s0 =	simm.s32 @!p2 $0x0  }
0x16: {  	s3 =	sld [smem:$0x3FDB];
	s0 =	simm.s32 @p2 $0x1  }
0x17: {  	s4 =	simm.s32 $0x1BF5;
	[smem:$0x3FB4] =	sst s0  }
0x18: {  	s0 =	sld [smem:$0x3F97];
	_ =	swait.ge [sflag:s4], $0x0  }
0x19: {  	s7 =	sld [smem:$0x3F98]  }
0x1a: {  	s8 =	sadd.s32 $0xFFFFE003, lr  }
0x1b: {  	s9 =	sadd.s32 $0xFFFFFEF7, lr;
	s5 =	simm.s32 $0xFFFFFFFF;
	p2 =	slt.u32 s8, $0xFFFFF086  }
0x1c: {  	p1 =	slt.u32 s9, $0xF7A;
	s5 =	simm.s32 @!p2 $0x0  }
0x1d: {  	s5 =	simm.s32 @p1 $0x1;
	p0 =	seq.s32 s7, s2  }
0x1e: {  	s7 =	smul.u32 @!p0 $0xF7A, s2;
	p2 =	seq.s32 @!p0 s5, $0x0  }
0x1f: {  	s9 =	smul.u32 $0xF7A, s1;
	s8 =	simm.s32 @!p0 $0x1BF5;
	p2 =	por !p2, p0  }
0x20: {  	[sflag:s8] =	ssyncset.s32 @!p0 $0xFFFFF086;
	s6 =	sadd.s32 @!p0 s3, s7;
	s7 =	simm.s32 @!p0 $0x108  }
0x21: {  	s3 =	sadd.s32 s3, s9;
	s6 =	sadd.s32 @!p0 $0x88, s6;
	s7 =	simm.s32 @p2 $0x1082  }
0x22: {  	[simem:s7], [sflag:s8] =	dma.local @!p0 [hbm:s6], $0xF7A  }
0x23: {  	s9 =	sor.u32 $0xD0000000, s2;
	s6 =	simm.s32 $0x108;
	_ =	swait.ge @!p0 [sflag:s8], $0x0  }
0x24: {  	s3 =	sadd.s32 $0x88, s3;
	s6 =	simm.s32 @!p1 $0x1082;
	[sflag:s4] =	ssyncset.s32 $0xFFFFF086  }
0x25: {  	[simem:s6], [sflag:s4] =	dma.local [hbm:s3], $0xF7A  }
0x26: {  	[smem:$0x3F98] =	sst s1;
	(tag) =	ssettag s2;
	_ =	strace s9  }
0x27: {  	s1 =	sld [smem:$0x3FA8]  }
0x28: {  	s2 =	sld [smem:$0x3FA9]  }
0x29: {  	s4 =	sld [smem:$0x3FAB]  }
0x2a: {  	p0 =	seq.s32 s5, $0x0;
	s5 =	sld [smem:$0x3FAC]  }
0x2b: {  	s6 =	sld [smem:$0x3FAD]  }
0x2c: {  	s7 =	sld [smem:$0x3FAE]  }
0x2d: {  	s3 =	simm.s32 $0x108;
	s8 =	sld [smem:$0x3FAF]  }
0x2e: {  	s3 =	simm.s32 @!p0 $0x1082;
	s9 =	sld [smem:$0x3FB0]  }
0x2f: {  	lr =	sadd.s32 s0, s3;
	s0 =	sld [smem:$0x3FA7]  }
0x30: {  	s3 =	sld [smem:$0x3FAA]  }
0x31: {  	[smem:$0x3FB3] =	sst s10  }
0x32: {  	s10 =	sld [smem:$0x3FB1];
	_ =	sdelay $0x3  }
0x33: {  	p0 =	seq.s32 s10, $0x1;
	s10 =	sld [smem:$0x3FB3];
	_ =	sdelay $0x3  }
0x34: {  	[smem:$0x3FB3] =	sst s10  }
0x35: {  	s10 =	sld [smem:$0x3FB2];
	_ =	sdelay $0x3  }
0x36: {  	p1 =	seq.s32 s10, $0x1;
	s10 =	sld [smem:$0x3FB3];
	_ =	sdelay $0x3  }
0x37: {  	[smem:$0x3FB3] =	sst s10  }
0x38: {  	s10 =	sld [smem:$0x3FB4]  }
0x39: {  	_ = 	snop;
	(pc) =	sbr.ind lr, $3  }
0x3a: {  	_ = 	snop  }
0x3b: {  	_ = 	snop  }
0x3c: {  	p2 =	seq.s32 s10, $0x1;
	s10 =	sld [smem:$0x3FB3]  }
0x3d: {  	_ =	shalt  }
0x3e: {  	_ =	shalt  }
0x3f: {  	_ =	shalt  }
0x40: {  	_ =	shalt  }
0x41: {  	_ =	shalt  }
0x42: {  	_ =	shalt  }
0x43: {  	_ =	shalt  }
0x44: {  	_ =	shalt  }
0x45: {  	_ =	shalt  }
0x46: {  	_ =	shalt  }
0x47: {  	_ =	shalt  }
0x48: {  	_ =	shalt  }
0x49: {  	_ =	shalt  }
0x4a: {  	_ =	shalt  }
0x4b: {  	_ =	shalt  }
0x4c: {  	_ =	shalt  }
0x4d: {  	_ =	shalt  }
0x4e: {  	_ =	shalt  }
0x4f: {  	_ =	shalt  }
0x50: {  	_ =	shalt  }
0x51: {  	_ =	shalt  }
0x52: {  	_ =	shalt  }
0x53: {  	_ =	shalt  }
0x54: {  	_ =	shalt  }
0x55: {  	_ =	shalt  }
0x56: {  	_ =	shalt  }
0x57: {  	_ =	shalt  }
0x58: {  	_ =	shalt  }
0x59: {  	_ =	shalt  }
0x5a: {  	_ =	shalt  }
0x5b: {  	_ =	shalt  }
0x5c: {  	_ =	shalt  }
0x5d: {  	_ =	shalt  }
0x5e: {  	_ =	shalt  }
0x5f: {  	_ =	shalt  }
0x60: {  	_ =	shalt  }
0x61: {  	_ =	shalt  }
0x62: {  	_ =	shalt  }
0x63: {  	_ =	shalt  }
0x64: {  	_ =	shalt  }
0x65: {  	_ =	shalt  }
0x66: {  	_ =	shalt  }
0x67: {  	_ =	shalt  }
0x68: {  	_ =	shalt  }
0x69: {  	_ =	shalt  }
0x6a: {  	_ =	shalt  }
0x6b: {  	_ =	shalt  }
0x6c: {  	_ =	shalt  }
0x6d: {  	_ =	shalt  }
0x6e: {  	_ =	shalt  }
0x6f: {  	_ =	shalt  }
0x70: {  	_ =	shalt  }
0x71: {  	_ =	shalt  }
0x72: {  	_ =	shalt  }
0x73: {  	_ =	shalt  }
0x74: {  	_ =	shalt  }
0x75: {  	_ =	shalt  }
0x76: {  	_ =	shalt  }
0x77: {  	_ =	shalt  }
0x78: {  	_ =	shalt  }
0x79: {  	_ =	shalt  }
0x7a: {  	_ =	shalt  }
0x7b: {  	_ =	shalt  }
0x7c: {  	_ =	shalt  }
0x7d: {  	_ =	shalt  }
0x7e: {  	_ =	shalt  }
0x7f: {  	_ =	shalt  }
0x80: {  	_ =	shalt  }
0x81: {  	_ =	shalt  }
0x82: {  	_ =	shalt  }
0x83: {  	_ =	shalt  }
0x84: {  	_ =	shalt  }
0x85: {  	_ =	shalt  }
0x86: {  	_ =	shalt  }
0x87: {  	_ =	shalt  }
.Lfunc_end0:
.L_simem_size_0:
called_computation_lowered:
.L_overlay_start_0:
0x88: {  	s2 =	sld [smem:$0x3FD9]  }
0x89: {  	s3 =	sld [smem:$0x3FFE];
	_ =	sdelay $0x1  }
0x8a: {  	s1 =	srdreg.scid  }
0x8b: {  	s0 =	sand.u32 $0x1, s1  }
0x8c: {  	s17 =	sshll.u32 s0, $0xA;
	s2 =	sadd.s32 s3, s2  }
0x8d: {  	s2 =	sadd.s32 s2, s17  }
0x8e: {  	[smem:$0x3FBF] =	sst s2  }
0x8f: {  	_ = 	snop  }
0x90: {  	s2 =	sld [smem:$0x3FC7]  }
0x91: {  	s18 =	sld [smem:$0x3FC6]  }
0x92: {  	s4 =	sld [smem:$0x3FD0];
	(tm) =	ssettm $0x1  }
0x93: {  	s5 =	sld [smem:$0x3FFB];
	_ =	sdelay $0x3  }
0x94: {  	_ =	strace s5  }
0x95: {  	s5 =	sld [smem:$0x3FFC];
	_ =	sdelay $0x3  }
0x96: {  	_ =	strace s5  }
0x97: {  	s5 =	sld [smem:$0x3FFD];
	_ =	sdelay $0x3  }
0x98: {  	_ =	strace s5  }
0x99: {  	_ =	strace $0x8FFFFFFF  }
0x9a: {  	s19 =	sld [smem:$0x3FDB];
	_ =	sdelay $0x1  }
0x9b: {  	s6 =	simm.s32 $_scs_section_size  }
0x9c: {  	s7 =	simm.s32 $_size__tile_overlayer_lowered;
	s8 =	simm.s32 $_tile_overlayer_lowered  }
0x9d: {  	s22 =	simm.s32 $0x1BFF;
	s21 =	sshll.u32 s8, $0x1;
	s5 =	sadd.s32 s6, s19  }
0x9e: {  	s9 =	simm.s32 $0x0;
	s20 =	sshll.u32 s7, $0x1;
	s7 =	sadd.s32 s21, s5  }
0x9f: {  	[timem:s9], [sflag:s22] =	dma.local [hbm:s7], s20  }
0xa0: {  	_ =	swait.ge [sflag:s22], s20  }
0xa1: {  	s6 =	ssub.s32 $0x0, s20;
	[sflag:s22] =	ssyncset.done $0x0  }
0xa2: {  	[sflag:s22] =	ssyncadd.s32 s6;
	_ =	sdelay $0x1  }
0xa3: {  	s23 =	simm.s32 $0x1B8B  }
0xa4: {  	_ =	swait.ge [sflag:s23], $0x1  }
0xa5: {  	[sflag:s23] =	ssyncset.done $0x0  }
0xa6: {  	s25 =	simm.s32 $0x1B8E;
	s24 =	sld [smem:$0x3FFE];
	[sflag:s23] =	ssyncadd.s32 $0xFFFFFFFF  }
0xa7: {  	s26 =	simm.s32 $execute0_lowered;
	[smem:$0x3FD2] =	sst s25  }
0xa8: {  	s7 =	sshll.u32 s26, $0x1;
	_ =	strace $0x80000046;
	[dreg:$0x1] =	wrdreg $0xFFFFFFFF  }
0xa9: {  	s28 =	simm.s32 $_size_execute0_lowered;
	s5 =	sadd.s32 s5, s7;
	[dreg:$0x0] =	wrdreg $0x0  }
0xaa: {  	s7 =	sshll.u32 s28, $0x1;
	[dreg:$0x2] =	wrdreg s5  }
0xab: {  	[dreg:$0x3] =	wrdreg s7  }
0xac: {  	[dreg:$0x4] =	wrdreg $0xC0  }
0xad: {  	_ =	task [dreg:s9], $0x5FFFF  }
0xae: {  	[dreg:$0x1] =	wrdreg $0xFFFFFFFF  }
0xaf: {  	[dreg:$0x0] =	wrdreg $0x60  }
0xb0: {  	[dreg:$0x2] =	wrdreg s4  }
0xb1: {  	[dreg:$0x3] =	wrdreg s24  }
0xb2: {  	[dreg:$0x4] =	wrdreg s2  }
0xb3: {  	[dreg:$0x5] =	wrdreg s18  }
0xb4: {  	[dreg:$0x6] =	wrdreg $0x8F000  }
0xb5: {  	[dreg:$0x7] =	wrdreg $0x9  }
0xb6: {  	_ =	task.clear_ibuf [dreg:s9], $0x8FFFF;
	_ =	strace $0x90000046  }
0xb7: {  	s29 =	simm.s32 $0x9;
	_ =	strace $0x80000048  }
0xb8: {  	_ =	swait.ge [sflag:s29], $0x1  }
0xb9: {  	[sflag:s29] =	ssyncadd.s32 $0xFFFFFFFF  }
0xba: {  	_ =	strace $0x90000048  }
0xbb: {  	_ =	sfence  }
0xbc: {  	s30 =	sld [smem:$0x0];
	_ =	sdelay $0x2  }
0xbd: {  	s31 =	sshll.u32 s1, $0xD;
	s1 =	sshrl.u32 s1, $0x2  }
0xbe: {  	s3 =	sand.u32 $0x4000, s31;
	s1 =	sadd.s32 s1, s30  }
0xbf: {  	s0 =	sor.u32 s3, s0;
	s1 =	sshll.u32 s1, $0x11  }
0xc0: {  	s0 =	sor.u32 s1, s0  }
0xc1: {  	s0 =	sadd.s32 $0x8F2B, s0  }
0xc2: {  	[sflag:s0] =	ssyncadd.remote.s32 $0x1  }
0xc3: {  	_ =	sfence.sel $0xFFFF  }
0xc4: {  	[dreg:$0x0] =	wrdreg $0xFFFFFFFF;
	(pc) =	sbr.abs _section_cstart, $3  }
0xc5: {  	[dreg:$0x1] =	wrdreg $0xFFFFFFFF  }
0xc6: {  	_ =	task.clear_ibuf [dreg:s9], $0x2FFFF;
	_ =	strace $0x9FFFFFFF  }
0xc7: {  	(tm) =	ssettm $0x7FFFFFFF  }
tec
execute0_lowered:
.L_overlay_start_1:
0x0: {  	(tag) =	ssettag $0x1  }
0x1: {  	s1 =	rddreg [dreg:$0x0]  }
0x2: {  	s0 =	rddreg [dreg:$0x1]  }
0x3: {  	s2 =	rddreg [dreg:$0x2]  }
0x4: {  	s3 =	rddreg [dreg:$0x3]  }
0x5: {  	s4 =	rddreg [dreg:$0x4]  }
0x6: {  	s5 =	simm.s32 $0x0;
	s17 =	srdreg.scid;
	s30 =	simm.s32 $0x28  }
0x7: {  	s31 =	simm.s32 $0x9;
	[smem:$0x7FF] =	sst s5;
	s6 =	sadd.s32 $0x2200, s0  }
0x8: {  	s18 =	stileid.u32;
	s8 =	sadd.s32 $0x4E4400, s0;
	s7 =	sadd.s32 $0x4E4200, s0  }
0x9: {  	s10 =	sadd.s32 $0x29400, s0;
	s12 =	smul.u32 $0x4E000, s18;
	s0 =	sadd.s32 $0x2BC00, s0  }
0xa: {  	s15 =	sshll.u32 s18, $0x6;
	s19 =	sadd.s32 $0x138000, s4;
	s22 =	smul.u32 $0x13800, s18  }
0xb: {  	_ =	strace $0x80000047;
	[dreg:$0x6] =	wrdreg s7;
	s7 =	sand.u32 $0x1, s17  }
0xc: {  	p0 =	sne.s32 s18, $0xF;
	[dreg:$0x8] =	wrdreg s19;
	s9 =	ssub.s32 $0x2, s7  }
0xd: {  	s11 =	sshll.u32 s7, $0x4;
	s12 =	sshrl.u32 s12, $0x2;
	s7 =	smul.u32 $0x138800, s7  }
0xe: {  	s13 =	sshrl.u32 s9, $0x1;
	s14 =	sor.u32 s18, s11;
	s12 =	sadd.s32 s12, s4  }
0xf: {  	s11 =	smul.u32 $0x2710, s14;
	s9 =	ssub.s32 s9, s13;
	[dreg:$0x7] =	wrdreg s12  }
0x10: {  	v0 =	vimm.s32 $0xFEDCBA98;
	v1 =	vimm.s32 $0x76543210;
	s13 =	sor.u32 $0x1C0B, s15;
	s14 =	smul.u32 $0x27100, s14;
	s16 =	sshrl.u32 s7, $0x3  }
0x11: {  	v2 =	vimm.s32 $0xBA98FEDC;
	v3 =	vimm.s32 $0x32107654;
	s7 =	sadd.s32 s22, s7;
	s22 =	simm.s32 $0xB;
	s24 =	sadd.s32 s0, s16  }
0x12: {  	v4 =	vimm.s32 $0xDCFE98BA;
	v5 =	vimm.s32 $0x54761032;
	v6 =	vimm.s32 $0xEFCDAB89;
	s7 =	sshrl.u32 s7, $0x3;
	s29 =	smax.u32 s9, $0x1;
	s9 =	simm.s32 $0x2  }
0x13: {  	v7 =	vimm.s32 $0x67452301;
	v0 =	vunpack.c.l.s4.s8 v0;
	v1 =	vunpack.c.l.s4.s8 v1;
	s20 =	sshrl.u32 s11, $0x3;
	s25 =	sadd.s32 s8, s14;
	[dreg:$0x10] =	wrdreg s29  }
0x14: {  	v2 =	vunpack.c.l.s4.s8 v2;
	v3 =	vunpack.c.l.s4.s8 v3;
	v4 =	vunpack.c.l.s4.s8 v4;
	s23 =	sadd.s32 $0x28, s11;
	s0 =	sadd.s32 s0, s7;
	[dreg:$0xc] =	wrdreg s25  }
0x15: {  	v5 =	vunpack.c.l.s4.s8 v5;
	v6 =	vunpack.c.l.s4.s8 v6;
	v7 =	vunpack.c.l.s4.s8 v7;
	s17 =	sadd.s32 $0x50, s11;
	s21 =	sadd.s32 s2, s20;
	[dreg:$0xe] =	wrdreg s0  }
0x16: {  	v0 =	vunpack.c.0.s8.s32 v0;
	v1 =	vunpack.c.0.s8.s32 v1;
	v2 =	vunpack.c.0.s8.s32 v2;
	s7 =	simm.s32 $0x5;
	s12 =	sadd.s32 s3, s20;
	[dreg:$0x9] =	wrdreg s21  }
0x17: {  	v3 =	vunpack.c.0.s8.s32 v3;
	v4 =	vunpack.c.0.s8.s32 v4;
	v5 =	vunpack.c.0.s8.s32 v5;
	s15 =	sshrl.u32 s23, $0x3;
	[dreg:$0xa] =	wrdreg s12;
	s12 =	sadd.s32 $0x27000, s24  }
0x18: {  	v6 =	vunpack.c.0.s8.s32 v6;
	v7 =	vunpack.c.0.s8.s32 v7;
	v0 =	vand.u32 $0xF, v0;
	s14 =	simm.s32 $0x0;
	s26 =	sadd.s32 s2, s15;
	[dreg:$0xb] =	wrdreg s12  }
0x19: {  	v0 =	vcombine.low v0, v1;
	v1 =	vcombine.low v3, v2;
	s0 =	simm.s32 $0x7A00;
	s28 =	sadd.s32 s3, s15;
	[dreg:$0xd] =	wrdreg s26  }
0x1a: {  	v2 =	vcombine.low v5, v4;
	v3 =	vcombine.low v7, v6;
	s23 =	simm.s32 $0x7;
	[dreg:$0xf] =	wrdreg s28;
	s12 =	simm.s32 $0x4  }
.LBB2_1:
0x1b: {  	s15 =	rddreg [dreg:$0x7]  }
0x1c: {  	s15 =	sshrl.u32 s15, $0x3  }
0x1d: {  	[spmem:s15], [sflag:s13] =	dma.local [hbm:s10], $0x2700  }
0x1e: {  	_ =	swait.ge [sflag:s22], $0x2700  }
0x1f: {  	[sflag:s22] =	ssyncset.done $0x0;
	s16 =	rddreg [dreg:$0x8]  }
0x20: {  	s18 =	simm.s32 @!p0 $0xB;
	[sflag:s22] =	ssyncadd.s32 $0xFFFFD900;
	s16 =	sshrl.u32 @!p0 s16, $0x3  }
0x21: {  	[spmem:s16], [sflag:s13] =	dma.local @!p0 [hbm:s10], $0x100  }
0x22: {  	_ =	swait.ge @!p0 [sflag:s18], $0x100  }
0x23: {  	[sflag:s18] =	ssyncset.done @!p0 $0x0  }
0x24: {  	s19 =	simm.s32 $0x8E00;
	s20 =	rddreg [dreg:$0x6];
	[sflag:s18] =	ssyncadd.s32 @!p0 $0xFFFFFF00  }
0x25: {  	[tilespmem:s19], [sflag:$0xB] =	stream.linear.gather [hbm4b:s20+s5], $0x100, $0x38;
	[tilespmem:$0x1C780] =	vst v63  }
0x26: {  	_ =	swait.ge [sflag:s22], $0x100  }
0x27: {  	[sflag:s22] =	ssyncset.done $0x0  }
0x28: {  	[sflag:s22] =	ssyncadd.s32 $0xFFFFFF00  }
0x29: {  	[bflag:$0x0] =	sbarrier.arrive $0xFFFF  }
0x2a: {  	s21 =	rddreg [dreg:$0x9]  }
0x2b: {  	[tilespmem:s5], [sflag:$0x1] =	stream.linear.gather [hbm4b:s21+s5], $0x28, $0x38;
	[tilespmem:$0x1C780] =	vst v63  }
0x2c: {  	s25 =	simm.s32 $0x100;
	s26 =	simm.s32 $0x1;
	s24 =	rddreg [dreg:$0xa]  }
0x2d: {  	[tilespmem:s25], [sflag:$0x3] =	stream.linear.gather [hbm4b:s24+s5], $0x28, $0x38;
	[tilespmem:$0x1C780] =	vst v63  }
0x2e: {  	_ =	swait.ge [sflag:s26], $0x28  }
0x2f: {  	[sflag:s26] =	ssyncset.done $0x0  }
0x30: {  	s28 =	simm.s32 $0x3;
	[sflag:s26] =	ssyncadd.s32 $0xFFFFFFD8  }
0x31: {  	_ =	swait.ge [sflag:s28], $0x28  }
0x32: {  	[sflag:s28] =	ssyncset.done $0x0  }
0x33: {  	s29 =	simm.s32 $0x200;
	[sflag:s28] =	ssyncadd.s32 $0xFFFFFFD8  }
0x34: {  	[tilespmem:s29], [sflag:$0x5] =	stream.indirect.gather [hbm4b:s1+s30], $0x80, s5, s30, $0xb8;
	[tilespmem:$0x1C780] =	vst v63  }
0x35: {  	s20 =	simm.s32 $0x2A00  }
0x36: {  	[tilespmem:s20], [sflag:$0x7] =	stream.indirect.gather [hbm4b:s6+s30], $0x80, s25, s30, $0xb8;
	[tilespmem:$0x1C780] =	vst v63  }
0x37: {  	s24 =	simm.s32 $0x5200;
	s21 =	rddreg [dreg:$0xc]  }
0x38: {  	[tilespmem:s24], [sflag:$0x9] =	stream.linear.gather [hbm4b:s21+s5], $0x1400, $0x38;
	[tilespmem:$0x1C780] =	vst v63  }
0x39: {  	s26 =	simm.s32 $0x80;
	s25 =	rddreg [dreg:$0xd]  }
0x3a: {  	[tilespmem:s26], [sflag:$0x2] =	stream.linear.gather [hbm4b:s25+s5], $0x28, $0x38;
	[tilespmem:$0x1C780] =	vst v63  }
0x3b: {  	s28 =	rddreg [dreg:$0xf];
	s29 =	simm.s32 $0x180  }
0x3c: {  	[tilespmem:s29], [sflag:$0x4] =	stream.linear.gather [hbm4b:s28+s5], $0x28, $0x38;
	[tilespmem:$0x1C780] =	vst v63  }
0x3d: {  	v4 =	vld [tilespmem:$0x8E00]  }
0x3e: {  	v5 =	vld [tilespmem:$0x8E10]  }
0x3f: {  	v6 =	vld [tilespmem:$0x8E20]  }
0x40: {  	v7 =	vld [tilespmem:$0x8E30]  }
0x41: {  	v8 =	vld [tilespmem:$0x8E40]  }
0x42: {  	v9 =	vld [tilespmem:$0x8E50]  }
0x43: {  	v11 =	vld [tilespmem:$0x8E70]  }
0x44: {  	v10 =	vld [tilespmem:$0x8E60]  }
0x45: {  	p1 =	por $0x0, $0x0;
	s19 =	simm.s32 $0x0;
	v12 =	vld [tilespmem:$0x8E80]  }
.LBB2_2:
0x46: {  	s18 =	sand.u32 $0x1, s19  }
0x47: {  	s21 =	sxor.u32 $0x1, s18  }
0x48: {  	s20 =	sadd.s32 $0x1, s21  }
0x49: {  	_ =	swait.ge [sflag:s20], $0x28  }
0x4a: {  	[sflag:s20] =	ssyncset.done $0x0  }
0x4b: {  	s29 =	sadd.s32 $0x3, s21;
	[sflag:s20] =	ssyncadd.s32 $0xFFFFFFD8  }
0x4c: {  	s26 =	smul.u32 $0x1400, s21;
	_ =	swait.ge [sflag:s29], $0x28  }
0x4d: {  	s24 =	sshll.u32 s21, $0x7;
	s28 =	sadd.s32 $0x5, s21;
	[sflag:s29] =	ssyncset.done $0x0  }
0x4e: {  	s25 =	sor.u32 $0x200, s26;
	s20 =	sadd.s32 $0x1, s19;
	[sflag:s29] =	ssyncadd.s32 $0xFFFFFFD8  }
0x4f: {  	[tilespmem:s25], [sflag:s28] =	stream.indirect.gather [hbm4b:s1+s30], $0x80, s24, s30, $0xb8;
	[tilespmem:$0x1C780] =	vst v63  }
0x50: {  	s29 =	sadd.s32 $0x7, s21;
	s25 =	smin.u32 s20, $0xF9  }
0x51: {  	s24 =	sor.u32 $0x100, s24;
	s28 =	sadd.s32 $0x2A00, s26;
	s25 =	smul.u32 $0x28, s25  }
0x52: {  	[tilespmem:s28], [sflag:s29] =	stream.indirect.gather [hbm4b:s6+s30], $0x80, s24, s30, $0xb8;
	[tilespmem:$0x1C780] =	vst v63  }
0x53: {  	s25 =	sadd.s32 s11, s25  }
0x54: {  	s21 =	sadd.s32 $0x9, s21;
	s26 =	sadd.s32 $0x5200, s26;
	s24 =	sshll.u32 s25, $0x4  }
0x55: {  	s28 =	simm.s32 $0x0;
	s29 =	sadd.s32 $0x5, s18;
	s24 =	sadd.s32 s8, s24  }
0x56: {  	[tilespmem:s26], [sflag:s21] =	stream.linear.gather [hbm4b:s24+s28], $0x1400, $0x38;
	[tilespmem:$0x1C780] =	vst v63  }
0x57: {  	_ =	swait.ge [sflag:s29], $0x1400  }
0x58: {  	[sflag:s29] =	ssyncset.done $0x0  }
0x59: {  	s24 =	sadd.s32 $0x7, s18;
	[sflag:s29] =	ssyncadd.s32 $0xFFFFEC00  }
0x5a: {  	_ =	swait.ge [sflag:s24], $0x1400  }
0x5b: {  	[sflag:s24] =	ssyncset.done $0x0  }
0x5c: {  	s25 =	sadd.s32 $0x9, s18;
	[sflag:s24] =	ssyncadd.s32 $0xFFFFEC00  }
0x5d: {  	_ =	swait.ge [sflag:s25], $0x1400  }
0x5e: {  	s26 =	smul.u32 $0x1400, s18;
	[sflag:s25] =	ssyncset.done $0x0  }
0x5f: {  	[sflag:s25] =	ssyncadd.s32 $0xFFFFEC00  }
0x60: {  	v13 =	vld [tilespmem:s26+$0x200]  }
0x61: {  	v14 =	vld [tilespmem:s26+$0x2A00];
	_ =	sdelay $0x1  }
0x62: {  	v15 =	vld [tilespmem:s26+$0x5200];
	_ =	sdelay $0x2  }
0x63: {  	v13 =	vadd.f32 v14, v13;
	_ =	sdelay $0x1  }
0x64: {  	v13 =	vadd.f32 v15, v13;
	_ =	sdelay $0x1  }
0x65: {  	v14 =	vsub.f32 $0.0e+00, v13;
	_ =	sdelay $0x1  }
0x66: {  	v14 =	vmul.f32 $1.442695020e+00, v14  }
0x67: {  	v15 =	vld [tilespmem:s26+$0x210]  }
0x68: {  	(erf) = vpow2.f32 v14;
	v14 =	vld [tilespmem:s26+$0x2A10];
	_ =	sdelay $0x1  }
0x69: {  	v16 =	vld [tilespmem:s26+$0x5210];
	_ =	sdelay $0x2  }
0x6a: {  	v14 =	vadd.f32 v14, v15;
	_ =	sdelay $0x1  }
0x6b: {  	v14 =	vadd.f32 v16, v14;
	_ =	sdelay $0x1  }
0x6c: {  	v15 =	vpop (erf);
	v16 =	vsub.f32 $0.0e+00, v14  }
0x6d: {  	v15 =	vadd.f32 $1.000000000e+00, v15  }
0x6e: {  	v16 =	vmul.f32 $1.442695020e+00, v16  }
0x6f: {  	(erf) = vrcp.f32 v15;
	v15 =	vld [tilespmem:s26+$0x220]  }
0x70: {  	(erf) = vpow2.f32 v16;
	v16 =	vld [tilespmem:s26+$0x2A20];
	_ =	sdelay $0x1  }
0x71: {  	v17 =	vld [tilespmem:s26+$0x5220];
	_ =	sdelay $0x2  }
0x72: {  	v15 =	vadd.f32 v16, v15;
	_ =	sdelay $0x1  }
0x73: {  	v15 =	vadd.f32 v17, v15  }
0x74: {  	v16 =	vpop (erf)  }
0x75: {  	v17 =	vpop (erf);
	v18 =	vsub.f32 $0.0e+00, v15  }
0x76: {  	v17 =	vadd.f32 $1.000000000e+00, v17  }
0x77: {  	v18 =	vmul.f32 $1.442695020e+00, v18  }
0x78: {  	(erf) = vrcp.f32 v17;
	v17 =	vld [tilespmem:s26+$0x230]  }
0x79: {  	(erf) = vpow2.f32 v18;
	v18 =	vld [tilespmem:s26+$0x2A30];
	_ =	sdelay $0x1  }
0x7a: {  	v19 =	vld [tilespmem:s26+$0x5230];
	_ =	sdelay $0x2  }
0x7b: {  	v17 =	vadd.f32 v18, v17;
	_ =	sdelay $0x1  }
0x7c: {  	v17 =	vadd.f32 v19, v17  }
0x7d: {  	v18 =	vpop (erf)  }
0x7e: {  	v19 =	vpop (erf);
	v20 =	vsub.f32 $0.0e+00, v17  }
0x7f: {  	v19 =	vadd.f32 $1.000000000e+00, v19  }
0x80: {  	v20 =	vmul.f32 $1.442695020e+00, v20  }
0x81: {  	(erf) = vrcp.f32 v19;
	v19 =	vld [tilespmem:s26+$0x240]  }
0x82: {  	(erf) = vpow2.f32 v20;
	v20 =	vld [tilespmem:s26+$0x2A40];
	_ =	sdelay $0x1  }
0x83: {  	v21 =	vld [tilespmem:s26+$0x5240];
	_ =	sdelay $0x2  }
0x84: {  	v19 =	vadd.f32 v20, v19;
	_ =	sdelay $0x1  }
0x85: {  	v19 =	vadd.f32 v21, v19  }
0x86: {  	v20 =	vpop (erf)  }
0x87: {  	v21 =	vpop (erf);
	v22 =	vsub.f32 $0.0e+00, v19  }
0x88: {  	v21 =	vadd.f32 $1.000000000e+00, v21  }
0x89: {  	v22 =	vmul.f32 $1.442695020e+00, v22  }
0x8a: {  	(erf) = vrcp.f32 v21;
	v21 =	vld [tilespmem:s26+$0x250]  }
0x8b: {  	(erf) = vpow2.f32 v22;
	v22 =	vld [tilespmem:s26+$0x2A50];
	_ =	sdelay $0x1  }
0x8c: {  	v23 =	vld [tilespmem:s26+$0x5250];
	_ =	sdelay $0x2  }
0x8d: {  	v21 =	vadd.f32 v22, v21;
	_ =	sdelay $0x1  }
0x8e: {  	v25 =	vadd.f32 v23, v21  }
0x8f: {  	v22 =	vpop (erf)  }
0x90: {  	v21 =	vpop (erf);
	v23 =	vsub.f32 $0.0e+00, v25  }
0x91: {  	v21 =	vadd.f32 $1.000000000e+00, v21  }
0x92: {  	v23 =	vmul.f32 $1.442695020e+00, v23  }
0x93: {  	(erf) = vrcp.f32 v21;
	v21 =	vld [tilespmem:s26+$0x260]  }
0x94: {  	(erf) = vpow2.f32 v23;
	v23 =	vld [tilespmem:s26+$0x2A60];
	_ =	sdelay $0x1  }
0x95: {  	v24 =	vld [tilespmem:s26+$0x5260];
	_ =	sdelay $0x2  }
0x96: {  	v21 =	vadd.f32 v23, v21;
	_ =	sdelay $0x1  }
0x97: {  	v26 =	vadd.f32 v24, v21  }
0x98: {  	v27 =	vpop (erf)  }
0x99: {  	v21 =	vpop (erf);
	v23 =	vsub.f32 $0.0e+00, v26  }
0x9a: {  	v21 =	vadd.f32 $1.000000000e+00, v21  }
0x9b: {  	v23 =	vmul.f32 $1.442695020e+00, v23  }
0x9c: {  	(erf) = vrcp.f32 v21;
	v21 =	vld [tilespmem:s26+$0x270]  }
0x9d: {  	(erf) = vpow2.f32 v23;
	v23 =	vld [tilespmem:s26+$0x2A70];
	_ =	sdelay $0x1  }
0x9e: {  	v24 =	vld [tilespmem:s26+$0x5270];
	_ =	sdelay $0x2  }
0x9f: {  	v21 =	vadd.f32 v23, v21;
	_ =	sdelay $0x1  }
0xa0: {  	v28 =	vadd.f32 v24, v21  }
0xa1: {  	v29 =	vpop (erf)  }
0xa2: {  	v21 =	vpop (erf);
	v23 =	vsub.f32 $0.0e+00, v28  }
0xa3: {  	v21 =	vadd.f32 $1.000000000e+00, v21  }
0xa4: {  	v23 =	vmul.f32 $1.442695020e+00, v23  }
0xa5: {  	(erf) = vrcp.f32 v21  }
0xa6: {  	(erf) = vpow2.f32 v23;
	_ =	sdelay $0x7  }
0xa7: {  	v30 =	vpop (erf)  }
0xa8: {  	v21 =	vpop (erf)  }
0xa9: {  	v21 =	vadd.f32 $1.000000000e+00, v21;
	_ =	sdelay $0x1  }
0xaa: {  	(erf) = vrcp.f32 v21;
	_ =	sdelay $0x2  }
0xab: {  	s21 =	simm.s32 $0x1  }
0xac: {  	s21 =	simm.s32 @!p1 $0x0;
	v22 =	vmul.f32 v22, v17  }
0xad: {  	s21 =	smul.u32 $0x5000, s21;
	v24 =	vmul.f32 v18, v14  }
0xae: {  	v33 =	vmul.f32 v22, v7;
	v14 =	vmul.f32 v30, v26  }
0xaf: {  	s21 =	sshrl.u32 s21, $0x2;
	v31 =	vmul.f32 v24, v5;
	v23 =	vmul.f32 v16, v13  }
0xb0: {  	s29 =	sadd.s32 $0x2AF0, s21;
	v16 =	vmul.f32 v27, v19;
	v27 =	vmul.f32 v14, v10  }
0xb1: {  	s28 =	sor.u32 $0x2F0, s21;
	v18 =	vmov s29;
	v21 =	vmul.f32 v20, v15;
	v20 =	vmul.f32 v23, v4;
	v13 =	vpop (erf)  }
0xb2: {  	v17 =	vmov s28;
	v15 =	vmul.f32 v29, v25;
	v13 =	vmul.f32 v13, v28  }
0xb3: {  	v25 =	vmul.f32 v16, v8;
	v32 =	vmul.f32 v21, v6  }
0xb4: {  	s21 =	sadd.s32 $0x52F0, s21;
	v26 =	vmul.f32 v15, v9;
	v28 =	vmul.f32 v13, v11  }
0xb5: {  	v19 =	vmov s21;
	s21 =	simm.s32 $0x0;
	v20 =	vadd.f32 v31, v20;
	v29 =	vadd.f32 v33, v32  }
0xb6: {  	v34 =	vld.idx.msk [tilespmem:v18+s21+$0xFFFFFFA0 ss:$0x1], $0xffff;
	v25 =	vadd.f32 v26, v25;
	v26 =	vadd.f32 v28, v27  }
0xb7: {  	v41 =	vld.idx.msk [tilespmem:v17+s21+$0x0 ss:$0x1], $0xffff  }
0xb8: {  	v35 =	vld.idx.msk [tilespmem:v18+s21+$0xFFFFFFB0 ss:$0x1], $0xffff;
	v20 =	vadd.f32 v29, v20;
	v25 =	vadd.f32 v26, v25  }
0xb9: {  	v37 =	vld.idx.msk [tilespmem:v17+s21+$0xFFFFFFA0 ss:$0x1], $0xffff  }
0xba: {  	v30 =	vld.idx.msk [tilespmem:v18+s21+$0xFFFFFF90 ss:$0x1], $0xffff;
	v20 =	vadd.f32 v25, v20  }
0xbb: {  	v31 =	vld.idx.msk [tilespmem:v17+s21+$0xFFFFFF90 ss:$0x1], $0xffff  }
0xbc: {  	v29 =	vld.idx.msk [tilespmem:v18+s21+$0x0 ss:$0x1], $0xffff;
	v39 =	vperm.xlane v20, v0  }
0xbd: {  	v27 =	vld.idx.msk [tilespmem:v17+s21+$0xFFFFFFC0 ss:$0x1], $0xffff  }
0xbe: {  	v28 =	vld.idx.msk [tilespmem:v18+s21+$0xFFFFFFC0 ss:$0x1], $0xffff;
	v20 =	vadd.f32 v39, v20  }
0xbf: {  	v25 =	vld.idx.msk [tilespmem:v19+s21+$0xFFFFFF90 ss:$0x1], $0xffff  }
0xc0: {  	v40 =	vld.idx.msk [tilespmem:v19+s21+$0xFFFFFFC0 ss:$0x1], $0xffff;
	v36 =	vperm.xlane v20, v1  }
0xc1: {  	v26 =	vld.idx.msk [tilespmem:v17+s21+$0xFFFFFFB0 ss:$0x1], $0xffff  }
0xc2: {  	v30 =	vadd.f32 v30, v31;
	v31 =	vld.idx.msk [tilespmem:v19+s21+$0xFFFFFFA0 ss:$0x1], $0xffff;
	v20 =	vadd.f32 v36, v20  }
0xc3: {  	v42 =	vld.idx.msk [tilespmem:v19+s21+$0xFFFFFFB0 ss:$0x1], $0xffff;
	v27 =	vadd.f32 v28, v27  }
0xc4: {  	v29 =	vadd.f32 v29, v41;
	v28 =	vld.idx.msk [tilespmem:v19+s21+$0x0 ss:$0x1], $0xffff;
	v30 =	vadd.f32 v25, v30;
	v25 =	vperm.xlane v20, v2  }
0xc5: {  	v43 =	vadd.f32 v40, v27;
	v27 =	vadd.f32 v34, v37  }
0xc6: {  	v44 =	vld.idx.msk [tilespmem:v18+s21+$0xFFFFFFF0 ss:$0x1], $0xffff;
	v26 =	vadd.f32 v35, v26;
	v25 =	vadd.f32 v25, v20  }
0xc7: {  	v47 =	vld.idx.msk [tilespmem:v17+s21+$0xFFFFFFF0 ss:$0x1], $0xffff;
	v45 =	vsub.f32 $0.0e+00, v43;
	v20 =	vadd.f32 v31, v27  }
0xc8: {  	v46 =	vsub.f32 $0.0e+00, v30;
	v36 =	vadd.f32 v42, v26;
	v27 =	vperm.xlane v25, v3  }
0xc9: {  	v29 =	vadd.f32 v28, v29;
	v28 =	vld.idx.msk [tilespmem:v19+s21+$0xFFFFFFF0 ss:$0x1], $0xffff;
	v26 =	vmul.f32 $1.442695020e+00, v45;
	v49 =	vsub.f32 $0.0e+00, v20  }
0xca: {  	v50 =	vld.idx.msk [tilespmem:v17+s21+$0xFFFFFFD0 ss:$0x1], $0xffff;
	v48 =	vmul.f32 $1.442695020e+00, v46;
	v25 =	vadd.f32 v27, v25;
	v27 =	vsub.f32 $0.0e+00, v36  }
0xcb: {  	(erf) = vpow2.f32 v26;
	v31 =	vld.idx.msk [tilespmem:v18+s21+$0xFFFFFFD0 ss:$0x1], $0xffff;
	v35 =	vmul.f32 $1.442695020e+00, v49  }
0xcc: {  	v33 =	vadd.f32 v44, v47;
	(erf) = vpow2.f32 v48;
	v27 =	vmul.f32 $1.442695020e+00, v27  }
0xcd: {  	v25 =	vadd.f32 v25, v12;
	(erf) = vpow2.f32 v35  }
0xce: {  	v38 =	vld.idx.msk [tilespmem:v18+s21+$0xFFFFFFE0 ss:$0x1], $0xffff;
	(erf) = vpow2.f32 v27;
	v27 =	vadd.f32 v28, v33  }
0xcf: {  	v52 =	vld.idx.msk [tilespmem:v19+s21+$0xFFFFFFD0 ss:$0x1], $0xffff;
	v39 =	vsub.f32 $0.0e+00, v29;
	v25 =	vsub.f32 $0.0e+00, v25  }
0xd0: {  	v26 =	vld.idx.msk [tilespmem:v17+s21+$0xFFFFFFE0 ss:$0x1], $0xffff;
	v28 =	vadd.f32 v31, v50;
	v31 =	vsub.f32 $0.0e+00, v27  }
0xd1: {  	v39 =	vmul.f32 $1.442695020e+00, v39  }
0xd2: {  	v51 =	vld.idx.msk [tilespmem:v19+s21+$0xFFFFFFE0 ss:$0x1], $0xffff;
	v25 =	vmul.f32 $1.442695020e+00, v25  }
0xd3: {  	(erf) = vpow2.f32 v39  }
0xd4: {  	(erf) = vpow2.f32 v25;
	v25 =	vadd.f32 v52, v28;
	v28 =	vmul.f32 $1.442695020e+00, v31;
	v31 =	vpop (erf)  }
0xd5: {  	v26 =	vadd.f32 v38, v26;
	v54 =	vpop (erf)  }
0xd6: {  	(erf) = vpow2.f32 v28;
	v28 =	vadd.f32 $1.000000000e+00, v54  }
0xd7: {  	v26 =	vadd.f32 v51, v26;
	v31 =	vadd.f32 $1.000000000e+00, v31;
	_ =	sdelay $0x1  }
0xd8: {  	v53 =	vsub.f32 $0.0e+00, v26;
	v56 =	vpop (erf);
	(erf) = vrcp.f32 v31  }
0xd9: {  	v55 =	vsub.f32 $0.0e+00, v25;
	(erf) = vrcp.f32 v28;
	v28 =	vpop (erf)  }
0xda: {  	v33 =	vmul.f32 $1.442695020e+00, v53;
	v28 =	vadd.f32 $1.000000000e+00, v28  }
0xdb: {  	v31 =	vmul.f32 $1.442695020e+00, v55  }
0xdc: {  	(erf) = vpow2.f32 v33  }
0xdd: {  	v57 =	vpop (erf);
	(erf) = vpow2.f32 v31  }
0xde: {  	(erf) = vrcp.f32 v28;
	v28 =	vpop (erf)  }
0xdf: {  	v33 =	vadd.f32 $1.000000000e+00, v57;
	v28 =	vadd.f32 $1.000000000e+00, v28  }
0xe0: {  	v31 =	vadd.f32 $1.000000000e+00, v56  }
0xe1: {  	(erf) = vrcp.f32 v33  }
0xe2: {  	(erf) = vrcp.f32 v31  }
0xe3: {  	(erf) = vrcp.f32 v28;
	v28 =	vpop (erf)  }
0xe4: {  	v31 =	vpop (erf)  }
0xe5: {  	v59 =	vadd.f32 $1.000000000e+00, v28;
	v58 =	vpop (erf)  }
0xe6: {  	v60 =	vpop (erf)  }
0xe7: {  	v28 =	vmul.f32 v31, v43;
	(erf) = vrcp.f32 v59;
	v31 =	vadd.f32 $1.000000000e+00, v60;
	_ =	sdelay $0x1  }
0xe8: {  	v61 =	vpop (erf)  }
0xe9: {  	v30 =	vmul.f32 v58, v30;
	v62 =	vadd.f32 $1.000000000e+00, v61;
	v63 =	vpop (erf)  }
0xea: {  	v32 =	vmul.f32 v63, v36;
	(erf) = vrcp.f32 v31;
	v31 =	vpop (erf)  }
0xeb: {  	v34 =	vmul.f32 v30, v4;
	(erf) = vrcp.f32 v62;
	v37 =	vpop (erf)  }
0xec: {  	v35 =	vmul.f32 v32, v6;
	v33 =	vmul.f32 v31, v29;
	v36 =	vpop (erf)  }
0xed: {  	v29 =	vmul.f32 v36, v23;
	v31 =	vmul.f32 v36, v24  }
0xee: {  	s26 =	simm.s32 $0x200;
	v23 =	vmul.f32 v36, v21;
	v24 =	vmul.f32 v36, v22  }
.LBB2_3:
0xef: {  	p2 =	sne.s32 s26, $0x4C00;
	v16 =	vmul.f32 v36, v16;
	v15 =	vmul.f32 v36, v15;
	v22 =	vpop (erf);
	v21 =	vmov v28;
	s24 =	smov.u32 s26;
	s26 =	sadd.s32 $0x200, s26  }
0xf0: {  	v38 =	vmul.f32 v36, v14;
	[tilespmem:s21+$0x7A20] =	vst v23;
	v14 =	vmul.f32 v22, v27;
	v23 =	vmovc v30;
	v22 =	vmov v32  }
0xf1: {  	v27 =	vmul.f32 v33, v11;
	v30 =	vmul.f32 v36, v13;
	v13 =	vmov v33;
	[tilespmem:s21+$0x7A30] =	vst v24  }
0xf2: {  	v24 =	vmul.f32 v37, v20;
	v20 =	vmul.f32 v14, v10;
	[tilespmem:s21+$0x7A40] =	vst v16  }
0xf3: {  	[tilespmem:s21+$0x7A50] =	vst v15;
	v15 =	vpop (erf)  }
0xf4: {  	v32 =	vmul.f32 v24, v5;
	v15 =	vmul.f32 v15, v26;
	v20 =	vadd.f32 v27, v20;
	[tilespmem:s21+$0x7A60] =	vst v38;
	v16 =	vpop (erf)  }
0xf5: {  	v16 =	vmul.f32 v16, v25;
	[tilespmem:s21+$0x7A70] =	vst v30  }
0xf6: {  	s24 =	sshra.s32 s24, $0x2;
	v25 =	vmul.f32 v28, v7;
	v27 =	vadd.f32 v32, v34;
	v26 =	vmul.f32 v15, v9  }
0xf7: {  	v28 =	vmul.f32 v16, v8;
	[tilespmem:s21+$0x7A10] =	vst v31  }
0xf8: {  	v25 =	vadd.f32 v25, v35;
	[tilespmem:s21+$0x7A00] =	vst v29;
	s21 =	smov.u32 s24  }
0xf9: {  	v29 =	vld.idx.msk [tilespmem:v17+s21+$0xFFFFFFC0 ss:$0x1], $0xffff;
	v26 =	vadd.f32 v26, v28  }
0xfa: {  	v28 =	vld.idx.msk [tilespmem:v18+s21+$0xFFFFFFC0 ss:$0x1], $0xffff  }
0xfb: {  	v25 =	vadd.f32 v25, v27;
	v30 =	vld.idx.msk [tilespmem:v17+s21+$0xFFFFFFB0 ss:$0x1], $0xffff;
	v20 =	vadd.f32 v20, v26  }
0xfc: {  	v26 =	vld.idx.msk [tilespmem:v18+s21+$0x0 ss:$0x1], $0xffff  }
0xfd: {  	v27 =	vld.idx.msk [tilespmem:v19+s21+$0xFFFFFF90 ss:$0x1], $0xffff;
	v20 =	vadd.f32 v20, v25  }
0xfe: {  	v25 =	vld.idx.msk [tilespmem:v18+s21+$0xFFFFFF90 ss:$0x1], $0xffff  }
0xff: {  	v31 =	vld.idx.msk [tilespmem:v17+s21+$0xFFFFFF90 ss:$0x1], $0xffff  }
0x100: {  	v33 =	vperm.xlane v20, v0;
	v32 =	vld.idx.msk [tilespmem:v19+s21+$0xFFFFFFC0 ss:$0x1], $0xffff  }
0x101: {  	v34 =	vld.idx.msk [tilespmem:v18+s21+$0xFFFFFFA0 ss:$0x1], $0xffff  }
0x102: {  	v20 =	vadd.f32 v33, v20;
	v35 =	vld.idx.msk [tilespmem:v17+s21+$0x0 ss:$0x1], $0xffff  }
0x103: {  	v33 =	vld.idx.msk [tilespmem:v18+s21+$0xFFFFFFB0 ss:$0x1], $0xffff  }
0x104: {  	v37 =	vperm.xlane v20, v1;
	v36 =	vld.idx.msk [tilespmem:v17+s21+$0xFFFFFFA0 ss:$0x1], $0xffff  }
0x105: {  	v25 =	vadd.f32 v25, v31;
	v31 =	vld.idx.msk [tilespmem:v19+s21+$0xFFFFFFA0 ss:$0x1], $0xffff  }
0x106: {  	v20 =	vadd.f32 v37, v20;
	v38 =	vld.idx.msk [tilespmem:v19+s21+$0xFFFFFFB0 ss:$0x1], $0xffff  }
0x107: {  	v28 =	vadd.f32 v28, v29;
	v29 =	vld.idx.msk [tilespmem:v19+s21+$0x0 ss:$0x1], $0xffff  }
0x108: {  	v37 =	vadd.f32 v27, v25;
	v25 =	vadd.f32 v26, v35;
	v26 =	vperm.xlane v20, v2  }
0x109: {  	v28 =	vadd.f32 v32, v28;
	v27 =	vadd.f32 v33, v30;
	v30 =	vld.idx.msk [tilespmem:v18+s21+$0xFFFFFFD0 ss:$0x1], $0xffff  }
0x10a: {  	v32 =	vadd.f32 v34, v36;
	v26 =	vadd.f32 v26, v20;
	v33 =	vld.idx.msk [tilespmem:v18+s21+$0xFFFFFFF0 ss:$0x1], $0xffff  }
0x10b: {  	v35 =	vsub.f32 $0.0e+00, v28;
	v34 =	vsub.f32 $0.0e+00, v37;
	v36 =	vld.idx.msk [tilespmem:v17+s21+$0xFFFFFFF0 ss:$0x1], $0xffff  }
0x10c: {  	v20 =	vadd.f32 v31, v32;
	v31 =	vadd.f32 v38, v27;
	v32 =	vperm.xlane v26, v3;
	v27 =	vld.idx.msk [tilespmem:v19+s21+$0xFFFFFFF0 ss:$0x1], $0xffff  }
0x10d: {  	v35 =	vmul.f32 $1.442695020e+00, v35;
	v34 =	vmul.f32 $1.442695020e+00, v34;
	v29 =	vadd.f32 v29, v25;
	v38 =	vld.idx.msk [tilespmem:v17+s21+$0xFFFFFFD0 ss:$0x1], $0xffff  }
0x10e: {  	v25 =	vsub.f32 $0.0e+00, v20;
	v26 =	vadd.f32 v32, v26;
	v39 =	vld.idx.msk [tilespmem:v18+s21+$0xFFFFFFE0 ss:$0x1], $0xffff  }
0x10f: {  	v32 =	vsub.f32 $0.0e+00, v31;
	v41 =	vsub.f32 $0.0e+00, v29;
	v40 =	vld.idx.msk [tilespmem:v17+s21+$0xFFFFFFE0 ss:$0x1], $0xffff;
	(erf) = vpow2.f32 v35  }
0x110: {  	v25 =	vmul.f32 $1.442695020e+00, v25;
	v26 =	vadd.f32 v26, v12;
	v35 =	vld.idx.msk [tilespmem:v19+s21+$0xFFFFFFE0 ss:$0x1], $0xffff;
	(erf) = vpow2.f32 v34  }
0x111: {  	v32 =	vmul.f32 $1.442695020e+00, v32;
	v33 =	vadd.f32 v33, v36;
	v36 =	vmul.f32 $1.442695020e+00, v41;
	v34 =	vld.idx.msk [tilespmem:v19+s21+$0xFFFFFFD0 ss:$0x1], $0xffff  }
0x112: {  	v26 =	vsub.f32 $0.0e+00, v26;
	(erf) = vpow2.f32 v25  }
0x113: {  	v25 =	vadd.f32 v30, v38;
	v27 =	vadd.f32 v27, v33;
	(erf) = vpow2.f32 v32  }
0x114: {  	v26 =	vmul.f32 $1.442695020e+00, v26;
	(erf) = vpow2.f32 v36  }
0x115: {  	v30 =	vadd.f32 v39, v40;
	v33 =	vsub.f32 $0.0e+00, v27  }
0x116: {  	(erf) = vpow2.f32 v26  }
0x117: {  	v25 =	vadd.f32 v34, v25;
	v26 =	vadd.f32 v35, v30;
	v30 =	vmul.f32 $1.442695020e+00, v33  }
0x118: {  	v32 =	vpop (erf)  }
0x119: {  	v33 =	vsub.f32 $0.0e+00, v26;
	v32 =	vadd.f32 $1.000000000e+00, v32;
	v34 =	vpop (erf);
	(erf) = vpow2.f32 v30  }
0x11a: {  	v36 =	vadd.f32 $1.000000000e+00, v34;
	v34 =	vsub.f32 $0.0e+00, v25  }
0x11b: {  	v38 =	vmul.f32 $1.442695020e+00, v33;
	v35 =	vpop (erf);
	(erf) = vrcp.f32 v32  }
0x11c: {  	v32 =	vadd.f32 $1.000000000e+00, v35;
	v34 =	vmul.f32 $1.442695020e+00, v34;
	(erf) = vrcp.f32 v36;
	v30 =	vpop (erf)  }
0x11d: {  	v35 =	vadd.f32 $1.000000000e+00, v30;
	(erf) = vpow2.f32 v38;
	v33 =	vpop (erf)  }
0x11e: {  	v33 =	vadd.f32 $1.000000000e+00, v33;
	(erf) = vpow2.f32 v34  }
0x11f: {  	(erf) = vrcp.f32 v35;
	v30 =	vpop (erf)  }
0x120: {  	v30 =	vadd.f32 $1.000000000e+00, v30;
	(erf) = vrcp.f32 v33  }
0x121: {  	(erf) = vrcp.f32 v32  }
0x122: {  	v32 =	vpop (erf);
	(erf) = vrcp.f32 v30  }
0x123: {  	v30 =	vadd.f32 $1.000000000e+00, v32  }
0x124: {  	v32 =	vpop (erf)  }
0x125: {  	v28 =	vmul.f32 v32, v28;
	v32 =	vpop (erf);
	(erf) = vrcp.f32 v30  }
0x126: {  	v30 =	vmul.f32 v32, v37;
	v32 =	vpop (erf)  }
0x127: {  	v33 =	vadd.f32 $1.000000000e+00, v32;
	v32 =	vpop (erf)  }
0x128: {  	v35 =	vadd.f32 $1.000000000e+00, v32;
	v32 =	vpop (erf)  }
.Ltmp0:
0x129: {  	v32 =	vmul.f32 v32, v31;
	(erf) = vrcp.f32 v33;
	v31 =	vpop (erf);
	(pc) =	sbr.rel @p2 .LBB2_3-.Ltmp0, $4  }
0x12a: {  	v34 =	vmul.f32 v30, v4;
	v37 =	vpop (erf);
	(erf) = vrcp.f32 v35  }
0x12b: {  	v33 =	vmul.f32 v31, v29;
	v35 =	vmul.f32 v32, v6;
	v36 =	vpop (erf)  }
0x12c: {  	v29 =	vmul.f32 v36, v23;
	v31 =	vmul.f32 v36, v24  }
0x12d: {  	v23 =	vmul.f32 v36, v22;
	v24 =	vmul.f32 v36, v21  }
0x12e: {  	_ =	sdelay $0x2  }
0x12f: {  	v17 =	vpop (erf)  }
0x130: {  	v18 =	vmul.f32 v33, v11;
	v20 =	vmul.f32 v37, v20;
	v19 =	vpop (erf)  }
0x131: {  	v58 =	vmul.f32 v28, v7;
	v17 =	vmul.f32 v17, v27;
	v22 =	vpop (erf)  }
0x132: {  	v19 =	vmul.f32 v19, v26;
	v22 =	vmul.f32 v22, v25  }
0x133: {  	v57 =	vmul.f32 v20, v5;
	v21 =	vmul.f32 v17, v10  }
0x134: {  	v59 =	vmul.f32 v19, v9;
	v60 =	vmul.f32 v22, v8  }
0x135: {  	v62 =	vadd.f32 v58, v35;
	v61 =	vadd.f32 v57, v34  }
0x136: {  	v18 =	vadd.f32 v18, v21;
	v63 =	vadd.f32 v59, v60;
	_ =	sdelay $0x1  }
0x137: {  	v21 =	vadd.f32 v62, v61;
	v18 =	vadd.f32 v18, v63;
	_ =	sdelay $0x1  }
0x138: {  	v18 =	vadd.f32 v18, v21;
	_ =	sdelay $0x1  }
0x139: {  	v21 =	vperm.xlane v18, v0;
	_ =	sdelay $0x1  }
0x13a: {  	v18 =	vadd.f32 v21, v18;
	_ =	sdelay $0x1  }
0x13b: {  	v21 =	vperm.xlane v18, v1;
	_ =	sdelay $0x1  }
0x13c: {  	v18 =	vadd.f32 v21, v18;
	_ =	sdelay $0x1  }
0x13d: {  	v21 =	vperm.xlane v18, v2;
	_ =	sdelay $0x1  }
0x13e: {  	v18 =	vadd.f32 v21, v18;
	_ =	sdelay $0x1  }
0x13f: {  	v21 =	vperm.xlane v18, v3;
	_ =	sdelay $0x1  }
0x140: {  	v18 =	vadd.f32 v21, v18;
	_ =	sdelay $0x1  }
0x141: {  	v18 =	vadd.f32 v18, v12;
	_ =	sdelay $0x1  }
0x142: {  	v18 =	vsub.f32 $0.0e+00, v18;
	_ =	sdelay $0x1  }
0x143: {  	v18 =	vmul.f32 $1.442695020e+00, v18;
	_ =	sdelay $0x1  }
0x144: {  	(erf) = vpow2.f32 v18;
	_ =	sdelay $0x8  }
0x145: {  	v18 =	vpop (erf)  }
0x146: {  	v18 =	vadd.f32 $1.000000000e+00, v18;
	_ =	sdelay $0x1  }
0x147: {  	(erf) = vrcp.f32 v18;
	_ =	sdelay $0x3  }
0x148: {  	[tilespmem:s21+$0x7A10] =	vst v31  }
0x149: {  	v13 =	vmul.f32 v36, v13;
	[tilespmem:s21+$0x7A00] =	vst v29  }
0x14a: {  	v16 =	vmul.f32 v36, v16;
	[tilespmem:s21+$0x7A20] =	vst v23  }
0x14b: {  	[tilespmem:s21+$0x7A30] =	vst v24  }
0x14c: {  	v14 =	vmul.f32 v36, v14;
	[tilespmem:s21+$0x7A40] =	vst v16  }
0x14d: {  	v15 =	vmul.f32 v36, v15;
	[tilespmem:s21+$0x7A70] =	vst v13;
	v13 =	vpop (erf)  }
0x14e: {  	[tilespmem:s21+$0x7A60] =	vst v14;
	v14 =	vmul.f32 v13, v30  }
0x14f: {  	[tilespmem:s21+$0x7A50] =	vst v15;
	v15 =	vmul.f32 v13, v20  }
0x150: {  	[tilespmem:$0x8D80] =	vst v14;
	v14 =	vmul.f32 v13, v32  }
0x151: {  	[tilespmem:$0x8D90] =	vst v15;
	v15 =	vmul.f32 v13, v28  }
0x152: {  	[tilespmem:$0x8DA0] =	vst v14;
	v14 =	vmul.f32 v13, v22  }
0x153: {  	[tilespmem:$0x8DB0] =	vst v15;
	v15 =	vmul.f32 v13, v19  }
0x154: {  	[tilespmem:$0x8DC0] =	vst v14;
	v14 =	vmul.f32 v13, v17  }
0x155: {  	p2 =	slt.s32 s19, $0xF7;
	[tilespmem:$0x8DD0] =	vst v15;
	v13 =	vmul.f32 v13, v33  }
0x156: {  	s28 =	sshll.u32 s18, $0x7;
	s19 =	simm.s32 @!p2 $0xF7;
	[tilespmem:$0x8DE0] =	vst v14  }
0x157: {  	s24 =	sor.u32 $0x100, s28;
	s19 =	smul.u32 $0x28, s19;
	[tilespmem:$0x8DF0] =	vst v13  }
0x158: {  	[spmem:s4] =	stream.indirect.scatter.add.f32 [tilespmem:s0], [sflag:$0xB], $0x80, s24, s30, $0xb8;
	[tilespmem:$0x1C780] =	vst v63  }
0x159: {  	s25 =	sadd.s32 $0x1, s18;
	s19 =	sadd.s32 s19, s17;
	_ =	swait.ge [sflag:s22], $0x1400  }
0x15a: {  	p2 =	sne.s32 s20, $0xFA;
	s19 =	sshrl.u32 s19, $0x3;
	[sflag:s22] =	ssyncset.done $0x0  }
.Ltmp1:
0x15b: {  	s26 =	sadd.s32 s2, s19;
	[sflag:s22] =	ssyncadd.s32 $0xFFFFEC00;
	(pc) =	sbr.rel @p2 .LBB2_2-.Ltmp1, $4  }
0x15c: {  	[tilespmem:s28], [sflag:s25] =	stream.linear.gather [hbm4b:s26+s5], $0x28, $0x38;
	[tilespmem:$0x1C780] =	vst v63  }
0x15d: {  	s29 =	sadd.s32 $0x3, s18;
	s19 =	sadd.s32 s3, s19  }
0x15e: {  	[tilespmem:s24], [sflag:s29] =	stream.linear.gather [hbm4b:s19+s5], $0x28, $0x38;
	[tilespmem:$0x1C780] =	vst v63  }
0x15f: {  	p1 =	por !p1, !p1;
	s19 =	smov.u32 s20  }
0x160: {  	_ =	swait.ge [sflag:s7], $0x1400  }
0x161: {  	[sflag:s7] =	ssyncset.done $0x0  }
0x162: {  	[sflag:s7] =	ssyncadd.s32 $0xFFFFEC00  }
0x163: {  	_ =	swait.ge [sflag:s23], $0x1400  }
0x164: {  	[sflag:s23] =	ssyncset.done $0x0  }
0x165: {  	[sflag:s23] =	ssyncadd.s32 $0xFFFFEC00  }
0x166: {  	_ =	swait.ge [sflag:s31], $0x1400  }
0x167: {  	[sflag:s31] =	ssyncset.done $0x0  }
0x168: {  	[sflag:s31] =	ssyncadd.s32 $0xFFFFEC00  }
0x169: {  	_ =	swait.ge [sflag:s9], $0x28  }
0x16a: {  	[sflag:s9] =	ssyncset.done $0x0  }
0x16b: {  	[sflag:s9] =	ssyncadd.s32 $0xFFFFFFD8  }
0x16c: {  	_ =	swait.ge [sflag:s12], $0x28  }
0x16d: {  	[sflag:s12] =	ssyncset.done $0x0  }
0x16e: {  	[sflag:s12] =	ssyncadd.s32 $0xFFFFFFD8  }
0x16f: {  	[bflag:$0x0] =	sbarrier.arrive $0xFFFF  }
0x170: {  	s18 =	rddreg [dreg:$0xe]  }
0x171: {  	[hbm:s18], [sflag:s13] =	dma.local [spmem:s15], $0x2700  }
0x172: {  	_ =	swait.ge [sflag:s22], $0x2700  }
0x173: {  	[sflag:s22] =	ssyncset.done $0x0  }
0x174: {  	s15 =	rddreg [dreg:$0xb];
	[sflag:s22] =	ssyncadd.s32 $0xFFFFD900  }
0x175: {  	[hbm:s15], [sflag:s13] =	dma.local @!p0 [spmem:s16], $0x100  }
0x176: {  	s15 =	simm.s32 @!p0 $0xB  }
0x177: {  	_ =	swait.ge @!p0 [sflag:s15], $0x100  }
0x178: {  	s14 =	sadd.s32 $0x1, s14;
	s29 =	rddreg [dreg:$0x10]  }
0x179: {  	p1 =	sne.s32 s14, s29  }
.Ltmp2:
0x17a: {  	_ = 	snop;
	(pc) =	sbr.rel @p1 .LBB2_1-.Ltmp2, $3  }
0x17b: {  	_ =	sdelay $0x1  }
0x17c: {  	[sflag:s15] =	ssyncset.done @!p0 $0x0  }
0x17d: {  	[sflag:s15] =	ssyncadd.s32 @!p0 $0xFFFFFF00  }
0x17e: {  	_ =	sfence.sel $0x180000  }
0x17f: {  	[bflag:$0x0] =	sbarrier.arrive $0xFFFF  }
0x180: {  	_ =	strace $0x90000047  }
0x181: {  	s0 =	stileid.u32;
	[bflag:$0x2] =	sbarrier.arrive $0xFFFF  }
0x182: {  	p0 =	sne.s32 s0, $0x0;
	s0 =	rddreg [dreg:$0x5]  }
0x183: {  	s0 =	sadd.s32 @!p0 $0x100000, s0  }
0x184: {  	[sflag:s0] =	ssyncadd.tile.s32 @!p0 $0x1;
	_ =	shalt  }
.Lfunc_end2:
_tile_overlayer_lowered:
.L_overlay_start_2:
0x185: {  	(tag) =	ssettag $0x2  }
0x186: {  	s0 =	rddreg [dreg:$0x0];
	s2 =	stileid.u32  }
0x187: {  	s1 =	rddreg [dreg:$0x1];
	p0 =	sne.s32 s2, $0x0  }
0x188: {  	s3 =	rddreg [dreg:$0x2];
	[bflag:$0x3] =	sbarrier.arrive $0xFFFF;
	s2 =	simm.s32 @!p0 $0x1C0B  }
0x189: {  	[timem:s3], [sflag:s2] =	dma.local @!p0 [hbm:s0], s1  }
0x18a: {  	s0 =	simm.s32 @!p0 $0xB  }
0x18b: {  	_ =	swait.ge @!p0 [sflag:s0], s1  }
0x18c: {  	s1 =	ssub.s32 @!p0 $0x0, s1;
	[sflag:s0] =	ssyncset.done @!p0 $0x0  }
0x18d: {  	[sflag:s0] =	ssyncadd.s32 @!p0 s1  }
0x18e: {  	[bflag:$0x3] =	sbarrier.arrive $0xFFFF  }
0x18f: {  	_ =	shalt  }

</sc_bundles>
